<compile_context>
chip_gen: v7x
topology: tpu7x:2x2x1
jax: 0.10.2.dev20260603
libtpu: 0.0.44.dev20260713+nightly
codegen_flags: <defaults>
</compile_context>

<pallas_src>
import functools

import jax
import jax.numpy as jnp
from jax import lax
from jax.experimental import pallas as pl
from jax.experimental.pallas import tpu as pltpu
from jax.experimental.pallas import tpu_sc as plsc

L = 16
NC = 2
NS = 16
NW = NC * NS
CH = 128
DCH = 8192

_SENT = 0x7FFFFFFF


def _shift_gather(x, pos):
    return lax.gather(
        x, pos[:, None],
        dimension_numbers=lax.GatherDimensionNumbers(
            offset_dims=(), collapsed_slice_dims=(0,), start_index_map=(0,)),
        slice_sizes=(1,),
        mode=lax.GatherScatterMode.PROMISE_IN_BOUNDS)


def _make_sc_kernel(M, D, B, own_shift):
    RANGE = 1 << own_shift
    NV = B // L

    mesh = plsc.VectorSubcoreMesh(core_axis_name="c", subcore_axis_name="s")

    @functools.partial(
        pl.kernel,
        out_type=(
            jax.ShapeDtypeStruct((B, D), jnp.float32),
            jax.ShapeDtypeStruct((M,), jnp.float32),
            jax.ShapeDtypeStruct((M,), jnp.float32),
        ),
        mesh=mesh,
        compiler_params=pltpu.CompilerParams(
            needs_layout_passes=False, use_tc_tiling_on_sc=False),
        scratch_types=(
            pltpu.VMEM((B + CH,), jnp.int32),
            pltpu.VMEM((RANGE,), jnp.int32),
            pltpu.VMEM((RANGE,), jnp.float32),
            pltpu.VMEM((B + CH,), jnp.int32),
            pltpu.VMEM((CH,), jnp.int32),
            pltpu.VMEM((CH,), jnp.int32),
            pltpu.VMEM((CH, D), jnp.float32),
            pltpu.VMEM((DCH,), jnp.float32),
            pltpu.VMEM((DCH,), jnp.float32),
            pltpu.VMEM((L,), jnp.float32),
            pltpu.SemaphoreType.DMA,
            pltpu.SemaphoreType.DMA,
        ),
    )
    def sc_kernel(idx_hbm, val_hbm, last_hbm, cnt_hbm, step_hbm,
                  gath_hbm, nlast_hbm, ncnt_hbm,
                  idx_v, win_v, cntv, plist, pstage, wstage, rows,
                  dbuf_l, dbuf_c, stepv, sem, sem2):
        wid = lax.axis_index("s") * NC + lax.axis_index("c")
        lane = lax.broadcasted_iota(jnp.int32, (L,), 0)

        cp_idx = pltpu.async_copy(idx_hbm, idx_v.at[pl.ds(0, B)], sem)
        pltpu.sync_copy(step_hbm, stepv)

        def init_body(j, _):
            for u in range(8):
                cntv[pl.ds(j * (8 * L) + u * L, L)] = jnp.zeros((L,), jnp.float32)
            return 0
        lax.fori_loop(0, RANGE // (8 * L), init_body, 0)
        cp_idx.wait()

        def passa_one(j, n):
            v = idx_v[pl.ds(j * L, L)]
            own = (v >> own_shift) == wid
            nown = jnp.sum(own.astype(jnp.int32))
            plsc.store_compressed(plist.at[pl.ds(n, L)], j * L + lane, mask=own)
            comp = jnp.where(own, (v << 4) | lane, _SENT)
            s = lax.sort(comp, is_stable=False)
            key = s >> 4
            kglob = j * L + (s & 15)
            nxt = _shift_gather(key, jnp.minimum(lane + 1, L - 1))
            prv = _shift_gather(key, jnp.maximum(lane - 1, 0))
            valid = s != _SENT
            rl = ((key != nxt) | (lane == L - 1)) & valid
            rf = (key != prv) | (lane == 0)
            q = plsc.cummax(jnp.where(rf, lane, jnp.int32(-1)))
            cnt16 = (lane - q + 1).astype(jnp.float32)
            loc = (key - (wid << own_shift)) & (RANGE - 1)
            plsc.store_scatter(win_v, [loc], kglob, mask=rl)
            plsc.addupdate_scatter(cntv, [loc], cnt16, mask=rl)
            return n + nown

        def passa_body(jj, n):
            for u in range(4):
                n = passa_one(jj * 4 + u, n)
            return n
        n = lax.fori_loop(0, NV // 4, passa_body, jnp.int32(0))

        @pl.when(n > 0)
        def _():
            first = plsc.load_gather(plist, [jnp.zeros((L,), jnp.int32)])
            for t in range(CH // L):
                plist[pl.ds(n + t * L, L)] = first

        nch = (n + CH - 1) >> 7

        def passc_body(ch, _):
            base = ch * CH
            for t in range(CH // L):
                pv = plist[pl.ds(base + t * L, L)]
                vk = plsc.load_gather(idx_v, [pv])
                loc = (vk - (wid << own_shift)) & (RANGE - 1)
                wv = plsc.load_gather(win_v, [loc]) & (B - 1)
                pstage[pl.ds(t * L, L)] = pv
                wstage[pl.ds(t * L, L)] = wv
            pltpu.async_copy(val_hbm.at[wstage], rows, sem).wait()
            pltpu.async_copy(rows, gath_hbm.at[pstage], sem).wait()
            return 0
        lax.fori_loop(0, nch, passc_body, 0)

        owned_base = wid << own_shift
        owned_end = jnp.minimum(owned_base + RANGE, M)
        size = owned_end - owned_base
        trips = jnp.maximum((size + DCH - 1) >> 13, 0)
        stepvec = stepv[pl.ds(0, L)]

        def passd_body(c, _):
            base_c = jnp.minimum(owned_base + c * DCH, owned_end - DCH)
            base_c = pl.multiple_of(base_c, 8)
            loc0 = base_c - owned_base
            cp_l = pltpu.async_copy(last_hbm.at[pl.ds(base_c, DCH)], dbuf_l, sem)
            cp_c = pltpu.async_copy(cnt_hbm.at[pl.ds(base_c, DCH)], dbuf_c, sem2)
            cp_l.wait()
            cp_c.wait()

            def merge_body(t, _):
                for u in range(4):
                    off = t * (4 * L) + u * L
                    c16 = cntv[pl.ds(loc0 + off, L)]
                    lv = dbuf_l[pl.ds(off, L)]
                    cv = dbuf_c[pl.ds(off, L)]
                    dbuf_l[pl.ds(off, L)] = jnp.where(c16 > 0.0, stepvec, lv)
                    dbuf_c[pl.ds(off, L)] = cv + c16
                return 0
            lax.fori_loop(0, DCH // (4 * L), merge_body, 0)
            st_l = pltpu.async_copy(dbuf_l, nlast_hbm.at[pl.ds(base_c, DCH)], sem)
            st_c = pltpu.async_copy(dbuf_c, ncnt_hbm.at[pl.ds(base_c, DCH)], sem2)
            st_l.wait()
            st_c.wait()
            return 0
        lax.fori_loop(0, trips, passd_body, 0)

    return sc_kernel


def _radii_tc(gathered, B, D):
    BLK = 4096

    def body(g_ref, r_ref):
        x = g_ref[...]
        r_ref[...] = jnp.sqrt(jnp.sum(x * x, axis=1)).reshape(BLK // 512, 512)

    return pl.pallas_call(
        body,
        grid=(B // BLK,),
        in_specs=[pl.BlockSpec((BLK, D), lambda i: (i, 0))],
        out_specs=pl.BlockSpec((BLK // 512, 512), lambda i: (i, 0)),
        out_shape=jax.ShapeDtypeStruct((B // 512, 512), jnp.float32),
    )(gathered)


def kernel(beliefs, val, last_accessed, access_count, idx, step):
    M, D = beliefs.shape
    B = idx.shape[0]
    own_shift = max((M - 1).bit_length() - 5, 1)

    step_vec = jnp.full((L,), step, dtype=jnp.float32)
    sc = _make_sc_kernel(M, D, B, own_shift)
    gathered, new_last, new_count = sc(
        idx, val, last_accessed, access_count, step_vec)
    radii = _radii_tc(gathered, B, D).reshape(B)
    return gathered, radii, new_last, new_count

# --- scband reference (transcript-rebuilt; emitter-appended) ---
"""Pipeline reference for scband-cognitive-state-60799557042695 (READ-ONLY COPY).

The authoritative reference and input builder live on the scoring server;
editing this copy changes nothing except your own understanding.
"""

import jax, jax.numpy as jnp
import numpy as np

M = 1000000  # max_beliefs
D = 64       # belief_dim
B = 16384    # batch of writes/touches

def setup_inputs(seed: int = 0) -> dict:
    key = jax.random.key(seed)
    k1, k2, k3 = jax.random.split(key, 3)
    beliefs = jax.random.normal(k1, (M, D), dtype=jnp.float32)
    val = jax.random.normal(k2, (B, D), dtype=jnp.float32)
    last_accessed = jnp.zeros((M,), dtype=jnp.float32)
    access_count = jnp.zeros((M,), dtype=jnp.float32)
    idx = jax.random.randint(k3, (B,), 0, M, dtype=jnp.int32)
    return {
        'beliefs': beliefs,
        'val': val,
        'last_accessed': last_accessed,
        'access_count': access_count,
        'idx': idx,
        'step': 100,
    }

def reference(beliefs, val, last_accessed, access_count, idx, step):
    # Batched allocate_belief: scatter-overwrite belief vectors into slots idx
    # (self.beliefs.data[slot] = belief_vector)
    new_beliefs = beliefs.at[idx].set(val)
    # touch_beliefs: recency tracking
    # self.belief_last_accessed[indices] = float(step)
    new_last = last_accessed.at[idx].set(jnp.float32(step))
    # self.belief_access_count[indices] += 1
    new_count = access_count.at[idx].add(1.0)
    # read back touched beliefs (gather) and compute radii (get_belief_radii on touched set)
    gathered = jnp.take(new_beliefs, idx, axis=0)
    radii = jnp.linalg.norm(gathered, axis=-1)
    return gathered, radii, new_last, new_count

if __name__ == "__main__":
    import jax
    _d = setup_inputs()
    print(jax.jit(kernel)(*tuple(_d.values())))

</pallas_src>

<mosaic_0001>
#map = affine_map<(d0, d1) -> (0)>
#map1 = affine_map<(d0, d1) -> (0, 0)>
module attributes {stable_mosaic.version = 14 : i64} {
  func.func @sc_kernel(%arg0: i32, %arg1: i32, %arg2: memref<16384xi32, #tpu.memory_space<hbm>>, %arg3: memref<16384x64xf32, #tpu.memory_space<hbm>>, %arg4: memref<1000000xf32, #tpu.memory_space<hbm>>, %arg5: memref<1000000xf32, #tpu.memory_space<hbm>>, %arg6: memref<16xf32, #tpu.memory_space<hbm>>, %arg7: memref<16384x64xf32, #tpu.memory_space<hbm>>, %arg8: memref<1000000xf32, #tpu.memory_space<hbm>>, %arg9: memref<1000000xf32, #tpu.memory_space<hbm>>, %arg10: memref<16512xi32, #tpu.memory_space<vmem>>, %arg11: memref<32768xi32, #tpu.memory_space<vmem>>, %arg12: memref<32768xf32, #tpu.memory_space<vmem>>, %arg13: memref<16512xi32, #tpu.memory_space<vmem>>, %arg14: memref<128xi32, #tpu.memory_space<vmem>>, %arg15: memref<128xi32, #tpu.memory_space<vmem>>, %arg16: memref<128x64xf32, #tpu.memory_space<vmem>>, %arg17: memref<8192xf32, #tpu.memory_space<vmem>>, %arg18: memref<8192xf32, #tpu.memory_space<vmem>>, %arg19: memref<16xf32, #tpu.memory_space<vmem>>, %arg20: memref<!tpu.dma_semaphore, #tpu.memory_space<semaphore_mem>>, %arg21: memref<!tpu.dma_semaphore, #tpu.memory_space<semaphore_mem>>) attributes {dimension_semantics = [#tpu.dimension_semantics<core_parallel>, #tpu.dimension_semantics<subcore_parallel>], iteration_bounds = array<i64: 2, 16>, scalar_prefetch = 0 : i64, scratch_operands = 12 : i64, tpu.core_type = #tpu.core_type<sc_vector_subcore>, window_params = [{transform_indices = #map}, {transform_indices = #map1}, {transform_indices = #map}, {transform_indices = #map}, {transform_indices = #map}, {transform_indices = #map1}, {transform_indices = #map}, {transform_indices = #map}]} {
    %mul3A = arith.constant 2 : i32
    %mul3A_0 = arith.muli %arg1, %mul3A : i32
    %add3A = arith.addi %mul3A_0, %arg0 : i32
    %iota3A = tpu.iota {dimensions = array<i32: 0>} : vector<16xi32>
    %dma_start3A = arith.constant 0 : i32
    %dma_start3A_1 = tpu.memref_slice %arg10[%dma_start3A] : memref<16512xi32, #tpu.memory_space<vmem>> -> memref<16384xi32, #tpu.memory_space<vmem>>
    %dma_start3A_2 = arith.constant 0 : i32
    %dma_start3A_3 = tpu.memref_slice %arg10[%dma_start3A_2] : memref<16512xi32, #tpu.memory_space<vmem>> -> memref<16384xi32, #tpu.memory_space<vmem>>
    tpu.enqueue_dma source(%arg2 : memref<16384xi32, #tpu.memory_space<hbm>>) target(%dma_start3A_3 : memref<16384xi32, #tpu.memory_space<vmem>>) target_semaphore(%arg20 : memref<!tpu.dma_semaphore, #tpu.memory_space<semaphore_mem>>)
    "tpu.region"() ({
      %run_scoped3A = tpu.sem_alloc : memref<!tpu.dma_semaphore, #tpu.memory_space<semaphore_mem>>
      tpu.enqueue_dma source(%arg6 : memref<16xf32, #tpu.memory_space<hbm>>) target(%arg19 : memref<16xf32, #tpu.memory_space<vmem>>) target_semaphore(%run_scoped3A : memref<!tpu.dma_semaphore, #tpu.memory_space<semaphore_mem>>)
      tpu.wait_dma2 semaphore(%run_scoped3A : memref<!tpu.dma_semaphore, #tpu.memory_space<semaphore_mem>>) src(%arg6 : memref<16xf32, #tpu.memory_space<hbm>>) dst(%arg19 : memref<16xf32, #tpu.memory_space<vmem>>)
      tpu.yield
    }) : () -> ()
    %scan3A = arith.constant 0 : i32
    %scan3A_4 = arith.constant 0 : i32
    %scan3A_5 = arith.constant 256 : i32
    %scan3A_6 = arith.addi %scan3A_4, %scan3A_5 : i32
    %scan3A_7 = arith.constant 1 : i32
    %scan3A_8 = scf.for %scan3A_62 = %scan3A_4 to %scan3A_6 step %scan3A_7 iter_args(%scan3A_63 = %scan3A) -> (i32)  : i32 {
      %broadcast_in_dim3A = arith.constant 0.000000e+00 : f32
      %broadcast_in_dim3A_64 = vector.broadcast %broadcast_in_dim3A : f32 to vector<16xf32>
      %mul3A_65 = arith.constant 128 : i32
      %mul3A_66 = arith.muli %scan3A_62, %mul3A_65 : i32
      %add3A_67 = arith.constant 0 : i32
      %add3A_68 = arith.addi %mul3A_66, %add3A_67 : i32
      %swap3A = arith.index_cast %add3A_68 : i32 to index
      %swap3A_69 = tpu.vector_load %arg12[%swap3A] {strides = array<i32>} : memref<32768xf32, #tpu.memory_space<vmem>>, vector<16xf32>,
      tpu.vector_store %arg12[%swap3A], %broadcast_in_dim3A_64 {strides = array<i32>} : memref<32768xf32, #tpu.memory_space<vmem>>, vector<16xf32>,
      %broadcast_in_dim3A_70 = arith.constant 0.000000e+00 : f32
      %broadcast_in_dim3A_71 = vector.broadcast %broadcast_in_dim3A_70 : f32 to vector<16xf32>
      %mul3A_72 = arith.constant 128 : i32
      %mul3A_73 = arith.muli %scan3A_62, %mul3A_72 : i32
      %add3A_74 = arith.constant 16 : i32
      %add3A_75 = arith.addi %mul3A_73, %add3A_74 : i32
      %swap3A_76 = arith.index_cast %add3A_75 : i32 to index
      %swap3A_77 = tpu.vector_load %arg12[%swap3A_76] {strides = array<i32>} : memref<32768xf32, #tpu.memory_space<vmem>>, vector<16xf32>,
      tpu.vector_store %arg12[%swap3A_76], %broadcast_in_dim3A_71 {strides = array<i32>} : memref<32768xf32, #tpu.memory_space<vmem>>, vector<16xf32>,
      %broadcast_in_dim3A_78 = arith.constant 0.000000e+00 : f32
      %broadcast_in_dim3A_79 = vector.broadcast %broadcast_in_dim3A_78 : f32 to vector<16xf32>
      %mul3A_80 = arith.constant 128 : i32
      %mul3A_81 = arith.muli %scan3A_62, %mul3A_80 : i32
      %add3A_82 = arith.constant 32 : i32
      %add3A_83 = arith.addi %mul3A_81, %add3A_82 : i32
      %swap3A_84 = arith.index_cast %add3A_83 : i32 to index
      %swap3A_85 = tpu.vector_load %arg12[%swap3A_84] {strides = array<i32>} : memref<32768xf32, #tpu.memory_space<vmem>>, vector<16xf32>,
      tpu.vector_store %arg12[%swap3A_84], %broadcast_in_dim3A_79 {strides = array<i32>} : memref<32768xf32, #tpu.memory_space<vmem>>, vector<16xf32>,
      %broadcast_in_dim3A_86 = arith.constant 0.000000e+00 : f32
      %broadcast_in_dim3A_87 = vector.broadcast %broadcast_in_dim3A_86 : f32 to vector<16xf32>
      %mul3A_88 = arith.constant 128 : i32
      %mul3A_89 = arith.muli %scan3A_62, %mul3A_88 : i32
      %add3A_90 = arith.constant 48 : i32
      %add3A_91 = arith.addi %mul3A_89, %add3A_90 : i32
      %swap3A_92 = arith.index_cast %add3A_91 : i32 to index
      %swap3A_93 = tpu.vector_load %arg12[%swap3A_92] {strides = array<i32>} : memref<32768xf32, #tpu.memory_space<vmem>>, vector<16xf32>,
      tpu.vector_store %arg12[%swap3A_92], %broadcast_in_dim3A_87 {strides = array<i32>} : memref<32768xf32, #tpu.memory_space<vmem>>, vector<16xf32>,
      %broadcast_in_dim3A_94 = arith.constant 0.000000e+00 : f32
      %broadcast_in_dim3A_95 = vector.broadcast %broadcast_in_dim3A_94 : f32 to vector<16xf32>
      %mul3A_96 = arith.constant 128 : i32
      %mul3A_97 = arith.muli %scan3A_62, %mul3A_96 : i32
      %add3A_98 = arith.constant 64 : i32
      %add3A_99 = arith.addi %mul3A_97, %add3A_98 : i32
      %swap3A_100 = arith.index_cast %add3A_99 : i32 to index
      %swap3A_101 = tpu.vector_load %arg12[%swap3A_100] {strides = array<i32>} : memref<32768xf32, #tpu.memory_space<vmem>>, vector<16xf32>,
      tpu.vector_store %arg12[%swap3A_100], %broadcast_in_dim3A_95 {strides = array<i32>} : memref<32768xf32, #tpu.memory_space<vmem>>, vector<16xf32>,
      %broadcast_in_dim3A_102 = arith.constant 0.000000e+00 : f32
      %broadcast_in_dim3A_103 = vector.broadcast %broadcast_in_dim3A_102 : f32 to vector<16xf32>
      %mul3A_104 = arith.constant 128 : i32
      %mul3A_105 = arith.muli %scan3A_62, %mul3A_104 : i32
      %add3A_106 = arith.constant 80 : i32
      %add3A_107 = arith.addi %mul3A_105, %add3A_106 : i32
      %swap3A_108 = arith.index_cast %add3A_107 : i32 to index
      %swap3A_109 = tpu.vector_load %arg12[%swap3A_108] {strides = array<i32>} : memref<32768xf32, #tpu.memory_space<vmem>>, vector<16xf32>,
      tpu.vector_store %arg12[%swap3A_108], %broadcast_in_dim3A_103 {strides = array<i32>} : memref<32768xf32, #tpu.memory_space<vmem>>, vector<16xf32>,
      %broadcast_in_dim3A_110 = arith.constant 0.000000e+00 : f32
      %broadcast_in_dim3A_111 = vector.broadcast %broadcast_in_dim3A_110 : f32 to vector<16xf32>
      %mul3A_112 = arith.constant 128 : i32
      %mul3A_113 = arith.muli %scan3A_62, %mul3A_112 : i32
      %add3A_114 = arith.constant 96 : i32
      %add3A_115 = arith.addi %mul3A_113, %add3A_114 : i32
      %swap3A_116 = arith.index_cast %add3A_115 : i32 to index
      %swap3A_117 = tpu.vector_load %arg12[%swap3A_116] {strides = array<i32>} : memref<32768xf32, #tpu.memory_space<vmem>>, vector<16xf32>,
      tpu.vector_store %arg12[%swap3A_116], %broadcast_in_dim3A_111 {strides = array<i32>} : memref<32768xf32, #tpu.memory_space<vmem>>, vector<16xf32>,
      %broadcast_in_dim3A_118 = arith.constant 0.000000e+00 : f32
      %broadcast_in_dim3A_119 = vector.broadcast %broadcast_in_dim3A_118 : f32 to vector<16xf32>
      %mul3A_120 = arith.constant 128 : i32
      %mul3A_121 = arith.muli %scan3A_62, %mul3A_120 : i32
      %add3A_122 = arith.constant 112 : i32
      %add3A_123 = arith.addi %mul3A_121, %add3A_122 : i32
      %swap3A_124 = arith.index_cast %add3A_123 : i32 to index
      %swap3A_125 = tpu.vector_load %arg12[%swap3A_124] {strides = array<i32>} : memref<32768xf32, #tpu.memory_space<vmem>>, vector<16xf32>,
      tpu.vector_store %arg12[%swap3A_124], %broadcast_in_dim3A_119 {strides = array<i32>} : memref<32768xf32, #tpu.memory_space<vmem>>, vector<16xf32>,
      %scan3A_126 = arith.constant 0 : i32
      scf.yield %scan3A_126 : i32
    }
    %scan3A_9 = arith.constant 256 : i32
    %dma_wait3A = arith.constant 0 : i32
    %dma_wait3A_10 = tpu.memref_slice %arg10[%dma_wait3A] : memref<16512xi32, #tpu.memory_space<vmem>> -> memref<16384xi32, #tpu.memory_space<vmem>>
    %dma_wait3A_11 = arith.constant 0 : i32
    %dma_wait3A_12 = tpu.memref_slice %arg10[%dma_wait3A_11] : memref<16512xi32, #tpu.memory_space<vmem>> -> memref<16384xi32, #tpu.memory_space<vmem>>
    tpu.wait_dma2 semaphore(%arg20 : memref<!tpu.dma_semaphore, #tpu.memory_space<semaphore_mem>>) src(%arg2 : memref<16384xi32, #tpu.memory_space<hbm>>) dst(%dma_wait3A_12 : memref<16384xi32, #tpu.memory_space<vmem>>)
    %scan3A_13 = arith.constant 0 : i32
    %scan3A_14 = arith.constant 0 : i32
    %scan3A_15 = arith.constant 256 : i32
    %scan3A_16 = arith.addi %scan3A_14, %scan3A_15 : i32
    %scan3A_17 = arith.constant 1 : i32
    %scan3A_18 = scf.for %scan3A_62 = %scan3A_14 to %scan3A_16 step %scan3A_17 iter_args(%scan3A_63 = %scan3A_13) -> (i32)  : i32 {
      %mul3A_64 = arith.constant 4 : i32
      %mul3A_65 = arith.muli %scan3A_62, %mul3A_64 : i32
      %add3A_66 = arith.constant 0 : i32
      %add3A_67 = arith.addi %mul3A_65, %add3A_66 : i32
      %mul3A_68 = arith.constant 16 : i32
      %mul3A_69 = arith.muli %add3A_67, %mul3A_68 : i32
      %get3A_70 = arith.index_cast %mul3A_69 : i32 to index
      %get3A_71 = tpu.vector_load %arg10[%get3A_70] {strides = array<i32>} : memref<16512xi32, #tpu.memory_space<vmem>>, vector<16xi32>,
      %shift_right_arithmetic3A_72 = arith.constant 15 : i32
      %shift_right_arithmetic3A_73 = vector.broadcast %shift_right_arithmetic3A_72 : i32 to vector<16xi32>
      %shift_right_arithmetic3A_74 = arith.shrsi %get3A_71, %shift_right_arithmetic3A_73 : vector<16xi32>
      %eq3A = vector.broadcast %add3A : i32 to vector<16xi32>
      %eq3A_75 = arith.cmpi eq, %shift_right_arithmetic3A_74, %eq3A : vector<16xi32>
      %convert_element_type3A_76 = arith.extui %eq3A_75 : vector<16xi1> to vector<16xi32>
      %reduce_sum3A = arith.constant true
      %reduce_sum3A_77 = vector.broadcast %reduce_sum3A : i1 to vector<16xi1>
      %reduce_sum3A_78 = tpu.scan <sum>, %convert_element_type3A_76 masked %reduce_sum3A_77 : vector<16xi32>, vector<16xi1> -> vector<16xi32>
      %reduce_sum3A_79 = vector.extract %reduce_sum3A_78[15] : i32 from vector<16xi32>
      %mul3A_80 = arith.constant 16 : i32
      %mul3A_81 = arith.muli %add3A_67, %mul3A_80 : i32
      %add3A_82 = vector.broadcast %mul3A_81 : i32 to vector<16xi32>
      %add3A_83 = arith.addi %add3A_82, %iota3A : vector<16xi32>
      %swap3A = arith.index_cast %scan3A_63 : i32 to index
      %swap3A_84 = tpu.vector_load %arg13[%swap3A] masked %eq3A_75 {strides = array<i32>} : memref<16512xi32, #tpu.memory_space<vmem>>, vector<16xi32>, vector<16xi1>
      tpu.vector_store %arg13[%swap3A], %add3A_83 masked %eq3A_75 {strides = array<i32>} : memref<16512xi32, #tpu.memory_space<vmem>>, vector<16xi32>, vector<16xi1>
      %shift_left3A_85 = arith.constant 4 : i32
      %shift_left3A_86 = vector.broadcast %shift_left3A_85 : i32 to vector<16xi32>
      %shift_left3A_87 = arith.shli %get3A_71, %shift_left3A_86 : vector<16xi32>
      %or3A = arith.ori %shift_left3A_87, %iota3A : vector<16xi32>
      %jit3A = arith.constant 2147483647 : i32
      %broadcast_in_dim3A = vector.broadcast %jit3A : i32 to vector<16xi32>
      %select_n3A = arith.select %eq3A_75, %or3A, %broadcast_in_dim3A : vector<16xi1>, vector<16xi32>
      %sort3A = arith.constant dense<true> : vector<16xi1>
      %sort3A_88, %sort3A_89, %sort3A_90 = tpu.sort %select_n3A, %select_n3A masked %sort3A : (vector<16xi32>, vector<16xi32>, vector<16xi1>) -> (vector<16xi1>, vector<16xi32>, vector<16xi32>)
      %shift_right_arithmetic3A_91 = arith.constant 4 : i32
      %shift_right_arithmetic3A_92 = vector.broadcast %shift_right_arithmetic3A_91 : i32 to vector<16xi32>
      %shift_right_arithmetic3A_93 = arith.shrsi %sort3A_89, %shift_right_arithmetic3A_92 : vector<16xi32>
      %mul3A_94 = arith.constant 16 : i32
      %mul3A_95 = arith.muli %add3A_67, %mul3A_94 : i32
      %and3A = arith.constant 15 : i32
      %and3A_96 = vector.broadcast %and3A : i32 to vector<16xi32>
      %and3A_97 = arith.andi %sort3A_89, %and3A_96 : vector<16xi32>
      %add3A_98 = vector.broadcast %mul3A_95 : i32 to vector<16xi32>
      %add3A_99 = arith.addi %add3A_98, %and3A_97 : vector<16xi32>
      %add3A_100 = arith.constant 1 : i32
      %add3A_101 = vector.broadcast %add3A_100 : i32 to vector<16xi32>
      %add3A_102 = arith.addi %iota3A, %add3A_101 : vector<16xi32>
      %min3A_103 = arith.constant 15 : i32
      %min3A_104 = vector.broadcast %min3A_103 : i32 to vector<16xi32>
      %min3A_105 = arith.minsi %add3A_102, %min3A_104 : vector<16xi32>
      %broadcast_in_dim3A_106 = vector.shape_cast %min3A_105 : vector<16xi32> to vector<16x1xi32>
      %gather3A = vector.shape_cast %broadcast_in_dim3A_106 : vector<16x1xi32> to vector<16xi32>
      %gather3A_107 = tpu.dynamic_gather %shift_right_arithmetic3A_93[%gather3A] in [0] : vector<16xi32>, vector<16xi32> -> vector<16xi32>
      %sub3A_108 = arith.constant 1 : i32
      %sub3A_109 = vector.broadcast %sub3A_108 : i32 to vector<16xi32>
      %sub3A_110 = arith.subi %iota3A, %sub3A_109 : vector<16xi32>
      %max3A_111 = arith.constant 0 : i32
      %max3A_112 = vector.broadcast %max3A_111 : i32 to vector<16xi32>
      %max3A_113 = arith.maxsi %sub3A_110, %max3A_112 : vector<16xi32>
      %broadcast_in_dim3A_114 = vector.shape_cast %max3A_113 : vector<16xi32> to vector<16x1xi32>
      %gather3A_115 = vector.shape_cast %broadcast_in_dim3A_114 : vector<16x1xi32> to vector<16xi32>
      %gather3A_116 = tpu.dynamic_gather %shift_right_arithmetic3A_93[%gather3A_115] in [0] : vector<16xi32>, vector<16xi32> -> vector<16xi32>
      %ne3A = arith.constant 2147483647 : i32
      %ne3A_117 = vector.broadcast %ne3A : i32 to vector<16xi32>
      %ne3A_118 = arith.cmpi ne, %sort3A_89, %ne3A_117 : vector<16xi32>
      %ne3A_119 = arith.cmpi ne, %shift_right_arithmetic3A_93, %gather3A_107 : vector<16xi32>
      %eq3A_120 = arith.constant 15 : i32
      %eq3A_121 = vector.broadcast %eq3A_120 : i32 to vector<16xi32>
      %eq3A_122 = arith.cmpi eq, %iota3A, %eq3A_121 : vector<16xi32>
      %or3A_123 = arith.ori %ne3A_119, %eq3A_122 : vector<16xi1>
      %and3A_124 = arith.andi %or3A_123, %ne3A_118 : vector<16xi1>
      %ne3A_125 = arith.cmpi ne, %shift_right_arithmetic3A_93, %gather3A_116 : vector<16xi32>
      %eq3A_126 = arith.constant 0 : i32
      %eq3A_127 = vector.broadcast %eq3A_126 : i32 to vector<16xi32>
      %eq3A_128 = arith.cmpi eq, %iota3A, %eq3A_127 : vector<16xi32>
      %or3A_129 = arith.ori %ne3A_125, %eq3A_128 : vector<16xi1>
      %jit3A_130 = arith.constant -1 : i32
      %broadcast_in_dim3A_131 = vector.broadcast %jit3A_130 : i32 to vector<16xi32>
      %select_n3A_132 = arith.select %or3A_129, %iota3A, %broadcast_in_dim3A_131 : vector<16xi1>, vector<16xi32>
      %broadcast_in_dim3A_133 = arith.constant true
      %broadcast_in_dim3A_134 = vector.broadcast %broadcast_in_dim3A_133 : i1 to vector<16xi1>
      %masked_cummax3A = arith.constant -2147483648 : i32
      %masked_cummax3A_135 = vector.broadcast %masked_cummax3A : i32 to vector<16xi32>
      %masked_cummax3A_136 = arith.xori %select_n3A_132, %masked_cummax3A_135 : vector<16xi32>
      %masked_cummax3A_137 = tpu.scan <max>, %masked_cummax3A_136 masked %broadcast_in_dim3A_134 : vector<16xi32>, vector<16xi1> -> vector<16xi32>
      %masked_cummax3A_138 = arith.xori %masked_cummax3A_137, %masked_cummax3A_135 : vector<16xi32>
      %sub3A_139 = arith.subi %iota3A, %masked_cummax3A_138 : vector<16xi32>
      %add3A_140 = arith.constant 1 : i32
      %add3A_141 = vector.broadcast %add3A_140 : i32 to vector<16xi32>
      %add3A_142 = arith.addi %sub3A_139, %add3A_141 : vector<16xi32>
      %convert_element_type3A_143 = arith.sitofp %add3A_142 : vector<16xi32> to vector<16xf32>
      %shift_left3A_144 = arith.constant 15 : i32
      %shift_left3A_145 = arith.shli %add3A, %shift_left3A_144 : i32
      %sub3A_146 = vector.broadcast %shift_left3A_145 : i32 to vector<16xi32>
      %sub3A_147 = arith.subi %shift_right_arithmetic3A_93, %sub3A_146 : vector<16xi32>
      %and3A_148 = arith.constant 32767 : i32
      %and3A_149 = vector.broadcast %and3A_148 : i32 to vector<16xi32>
      %and3A_150 = arith.andi %sub3A_147, %and3A_149 : vector<16xi32>
      tpu.vector_store_idx %arg11[%and3A_150], %add3A_99 masked %and3A_124 : memref<32768xi32, #tpu.memory_space<vmem>>[vector<16xi32>], vector<16xi32>, vector<16xi1>
      tpu.vector_store_idx %arg12[%and3A_150], %convert_element_type3A_143 masked %and3A_124 {add = true} : memref<32768xf32, #tpu.memory_space<vmem>>[vector<16xi32>], vector<16xf32>, vector<16xi1>
      %add3A_151 = arith.addi %scan3A_63, %reduce_sum3A_79 : i32
      %mul3A_152 = arith.constant 4 : i32
      %mul3A_153 = arith.muli %scan3A_62, %mul3A_152 : i32
      %add3A_154 = arith.constant 1 : i32
      %add3A_155 = arith.addi %mul3A_153, %add3A_154 : i32
      %mul3A_156 = arith.constant 16 : i32
      %mul3A_157 = arith.muli %add3A_155, %mul3A_156 : i32
      %get3A_158 = arith.index_cast %mul3A_157 : i32 to index
      %get3A_159 = tpu.vector_load %arg10[%get3A_158] {strides = array<i32>} : memref<16512xi32, #tpu.memory_space<vmem>>, vector<16xi32>,
      %shift_right_arithmetic3A_160 = arith.constant 15 : i32
      %shift_right_arithmetic3A_161 = vector.broadcast %shift_right_arithmetic3A_160 : i32 to vector<16xi32>
      %shift_right_arithmetic3A_162 = arith.shrsi %get3A_159, %shift_right_arithmetic3A_161 : vector<16xi32>
      %eq3A_163 = vector.broadcast %add3A : i32 to vector<16xi32>
      %eq3A_164 = arith.cmpi eq, %shift_right_arithmetic3A_162, %eq3A_163 : vector<16xi32>
      %convert_element_type3A_165 = arith.extui %eq3A_164 : vector<16xi1> to vector<16xi32>
      %reduce_sum3A_166 = arith.constant true
      %reduce_sum3A_167 = vector.broadcast %reduce_sum3A_166 : i1 to vector<16xi1>
      %reduce_sum3A_168 = tpu.scan <sum>, %convert_element_type3A_165 masked %reduce_sum3A_167 : vector<16xi32>, vector<16xi1> -> vector<16xi32>
      %reduce_sum3A_169 = vector.extract %reduce_sum3A_168[15] : i32 from vector<16xi32>
      %mul3A_170 = arith.constant 16 : i32
      %mul3A_171 = arith.muli %add3A_155, %mul3A_170 : i32
      %add3A_172 = vector.broadcast %mul3A_171 : i32 to vector<16xi32>
      %add3A_173 = arith.addi %add3A_172, %iota3A : vector<16xi32>
      %swap3A_174 = arith.index_cast %add3A_151 : i32 to index
      %swap3A_175 = tpu.vector_load %arg13[%swap3A_174] masked %eq3A_164 {strides = array<i32>} : memref<16512xi32, #tpu.memory_space<vmem>>, vector<16xi32>, vector<16xi1>
      tpu.vector_store %arg13[%swap3A_174], %add3A_173 masked %eq3A_164 {strides = array<i32>} : memref<16512xi32, #tpu.memory_space<vmem>>, vector<16xi32>, vector<16xi1>
      %shift_left3A_176 = arith.constant 4 : i32
      %shift_left3A_177 = vector.broadcast %shift_left3A_176 : i32 to vector<16xi32>
      %shift_left3A_178 = arith.shli %get3A_159, %shift_left3A_177 : vector<16xi32>
      %or3A_179 = arith.ori %shift_left3A_178, %iota3A : vector<16xi32>
      %jit3A_180 = arith.constant 2147483647 : i32
      %broadcast_in_dim3A_181 = vector.broadcast %jit3A_180 : i32 to vector<16xi32>
      %select_n3A_182 = arith.select %eq3A_164, %or3A_179, %broadcast_in_dim3A_181 : vector<16xi1>, vector<16xi32>
      %sort3A_183 = arith.constant dense<true> : vector<16xi1>
      %sort3A_184, %sort3A_185, %sort3A_186 = tpu.sort %select_n3A_182, %select_n3A_182 masked %sort3A_183 : (vector<16xi32>, vector<16xi32>, vector<16xi1>) -> (vector<16xi1>, vector<16xi32>, vector<16xi32>)
      %shift_right_arithmetic3A_187 = arith.constant 4 : i32
      %shift_right_arithmetic3A_188 = vector.broadcast %shift_right_arithmetic3A_187 : i32 to vector<16xi32>
      %shift_right_arithmetic3A_189 = arith.shrsi %sort3A_185, %shift_right_arithmetic3A_188 : vector<16xi32>
      %mul3A_190 = arith.constant 16 : i32
      %mul3A_191 = arith.muli %add3A_155, %mul3A_190 : i32
      %and3A_192 = arith.constant 15 : i32
      %and3A_193 = vector.broadcast %and3A_192 : i32 to vector<16xi32>
      %and3A_194 = arith.andi %sort3A_185, %and3A_193 : vector<16xi32>
      %add3A_195 = vector.broadcast %mul3A_191 : i32 to vector<16xi32>
      %add3A_196 = arith.addi %add3A_195, %and3A_194 : vector<16xi32>
      %add3A_197 = arith.constant 1 : i32
      %add3A_198 = vector.broadcast %add3A_197 : i32 to vector<16xi32>
      %add3A_199 = arith.addi %iota3A, %add3A_198 : vector<16xi32>
      %min3A_200 = arith.constant 15 : i32
      %min3A_201 = vector.broadcast %min3A_200 : i32 to vector<16xi32>
      %min3A_202 = arith.minsi %add3A_199, %min3A_201 : vector<16xi32>
      %broadcast_in_dim3A_203 = vector.shape_cast %min3A_202 : vector<16xi32> to vector<16x1xi32>
      %gather3A_204 = vector.shape_cast %broadcast_in_dim3A_203 : vector<16x1xi32> to vector<16xi32>
      %gather3A_205 = tpu.dynamic_gather %shift_right_arithmetic3A_189[%gather3A_204] in [0] : vector<16xi32>, vector<16xi32> -> vector<16xi32>
      %sub3A_206 = arith.constant 1 : i32
      %sub3A_207 = vector.broadcast %sub3A_206 : i32 to vector<16xi32>
      %sub3A_208 = arith.subi %iota3A, %sub3A_207 : vector<16xi32>
      %max3A_209 = arith.constant 0 : i32
      %max3A_210 = vector.broadcast %max3A_209 : i32 to vector<16xi32>
      %max3A_211 = arith.maxsi %sub3A_208, %max3A_210 : vector<16xi32>
      %broadcast_in_dim3A_212 = vector.shape_cast %max3A_211 : vector<16xi32> to vector<16x1xi32>
      %gather3A_213 = vector.shape_cast %broadcast_in_dim3A_212 : vector<16x1xi32> to vector<16xi32>
      %gather3A_214 = tpu.dynamic_gather %shift_right_arithmetic3A_189[%gather3A_213] in [0] : vector<16xi32>, vector<16xi32> -> vector<16xi32>
      %ne3A_215 = arith.constant 2147483647 : i32
      %ne3A_216 = vector.broadcast %ne3A_215 : i32 to vector<16xi32>
      %ne3A_217 = arith.cmpi ne, %sort3A_185, %ne3A_216 : vector<16xi32>
      %ne3A_218 = arith.cmpi ne, %shift_right_arithmetic3A_189, %gather3A_205 : vector<16xi32>
      %eq3A_219 = arith.constant 15 : i32
      %eq3A_220 = vector.broadcast %eq3A_219 : i32 to vector<16xi32>
      %eq3A_221 = arith.cmpi eq, %iota3A, %eq3A_220 : vector<16xi32>
      %or3A_222 = arith.ori %ne3A_218, %eq3A_221 : vector<16xi1>
      %and3A_223 = arith.andi %or3A_222, %ne3A_217 : vector<16xi1>
      %ne3A_224 = arith.cmpi ne, %shift_right_arithmetic3A_189, %gather3A_214 : vector<16xi32>
      %eq3A_225 = arith.constant 0 : i32
      %eq3A_226 = vector.broadcast %eq3A_225 : i32 to vector<16xi32>
      %eq3A_227 = arith.cmpi eq, %iota3A, %eq3A_226 : vector<16xi32>
      %or3A_228 = arith.ori %ne3A_224, %eq3A_227 : vector<16xi1>
      %jit3A_229 = arith.constant -1 : i32
      %broadcast_in_dim3A_230 = vector.broadcast %jit3A_229 : i32 to vector<16xi32>
      %select_n3A_231 = arith.select %or3A_228, %iota3A, %broadcast_in_dim3A_230 : vector<16xi1>, vector<16xi32>
      %broadcast_in_dim3A_232 = arith.constant true
      %broadcast_in_dim3A_233 = vector.broadcast %broadcast_in_dim3A_232 : i1 to vector<16xi1>
      %masked_cummax3A_234 = arith.constant -2147483648 : i32
      %masked_cummax3A_235 = vector.broadcast %masked_cummax3A_234 : i32 to vector<16xi32>
      %masked_cummax3A_236 = arith.xori %select_n3A_231, %masked_cummax3A_235 : vector<16xi32>
      %masked_cummax3A_237 = tpu.scan <max>, %masked_cummax3A_236 masked %broadcast_in_dim3A_233 : vector<16xi32>, vector<16xi1> -> vector<16xi32>
      %masked_cummax3A_238 = arith.xori %masked_cummax3A_237, %masked_cummax3A_235 : vector<16xi32>
      %sub3A_239 = arith.subi %iota3A, %masked_cummax3A_238 : vector<16xi32>
      %add3A_240 = arith.constant 1 : i32
      %add3A_241 = vector.broadcast %add3A_240 : i32 to vector<16xi32>
      %add3A_242 = arith.addi %sub3A_239, %add3A_241 : vector<16xi32>
      %convert_element_type3A_243 = arith.sitofp %add3A_242 : vector<16xi32> to vector<16xf32>
      %shift_left3A_244 = arith.constant 15 : i32
      %shift_left3A_245 = arith.shli %add3A, %shift_left3A_244 : i32
      %sub3A_246 = vector.broadcast %shift_left3A_245 : i32 to vector<16xi32>
      %sub3A_247 = arith.subi %shift_right_arithmetic3A_189, %sub3A_246 : vector<16xi32>
      %and3A_248 = arith.constant 32767 : i32
      %and3A_249 = vector.broadcast %and3A_248 : i32 to vector<16xi32>
      %and3A_250 = arith.andi %sub3A_247, %and3A_249 : vector<16xi32>
      tpu.vector_store_idx %arg11[%and3A_250], %add3A_196 masked %and3A_223 : memref<32768xi32, #tpu.memory_space<vmem>>[vector<16xi32>], vector<16xi32>, vector<16xi1>
      tpu.vector_store_idx %arg12[%and3A_250], %convert_element_type3A_243 masked %and3A_223 {add = true} : memref<32768xf32, #tpu.memory_space<vmem>>[vector<16xi32>], vector<16xf32>, vector<16xi1>
      %add3A_251 = arith.addi %add3A_151, %reduce_sum3A_169 : i32
      %mul3A_252 = arith.constant 4 : i32
      %mul3A_253 = arith.muli %scan3A_62, %mul3A_252 : i32
      %add3A_254 = arith.constant 2 : i32
      %add3A_255 = arith.addi %mul3A_253, %add3A_254 : i32
      %mul3A_256 = arith.constant 16 : i32
      %mul3A_257 = arith.muli %add3A_255, %mul3A_256 : i32
      %get3A_258 = arith.index_cast %mul3A_257 : i32 to index
      %get3A_259 = tpu.vector_load %arg10[%get3A_258] {strides = array<i32>} : memref<16512xi32, #tpu.memory_space<vmem>>, vector<16xi32>,
      %shift_right_arithmetic3A_260 = arith.constant 15 : i32
      %shift_right_arithmetic3A_261 = vector.broadcast %shift_right_arithmetic3A_260 : i32 to vector<16xi32>
      %shift_right_arithmetic3A_262 = arith.shrsi %get3A_259, %shift_right_arithmetic3A_261 : vector<16xi32>
      %eq3A_263 = vector.broadcast %add3A : i32 to vector<16xi32>
      %eq3A_264 = arith.cmpi eq, %shift_right_arithmetic3A_262, %eq3A_263 : vector<16xi32>
      %convert_element_type3A_265 = arith.extui %eq3A_264 : vector<16xi1> to vector<16xi32>
      %reduce_sum3A_266 = arith.constant true
      %reduce_sum3A_267 = vector.broadcast %reduce_sum3A_266 : i1 to vector<16xi1>
      %reduce_sum3A_268 = tpu.scan <sum>, %convert_element_type3A_265 masked %reduce_sum3A_267 : vector<16xi32>, vector<16xi1> -> vector<16xi32>
      %reduce_sum3A_269 = vector.extract %reduce_sum3A_268[15] : i32 from vector<16xi32>
      %mul3A_270 = arith.constant 16 : i32
      %mul3A_271 = arith.muli %add3A_255, %mul3A_270 : i32
      %add3A_272 = vector.broadcast %mul3A_271 : i32 to vector<16xi32>
      %add3A_273 = arith.addi %add3A_272, %iota3A : vector<16xi32>
      %swap3A_274 = arith.index_cast %add3A_251 : i32 to index
      %swap3A_275 = tpu.vector_load %arg13[%swap3A_274] masked %eq3A_264 {strides = array<i32>} : memref<16512xi32, #tpu.memory_space<vmem>>, vector<16xi32>, vector<16xi1>
      tpu.vector_store %arg13[%swap3A_274], %add3A_273 masked %eq3A_264 {strides = array<i32>} : memref<16512xi32, #tpu.memory_space<vmem>>, vector<16xi32>, vector<16xi1>
      %shift_left3A_276 = arith.constant 4 : i32
      %shift_left3A_277 = vector.broadcast %shift_left3A_276 : i32 to vector<16xi32>
      %shift_left3A_278 = arith.shli %get3A_259, %shift_left3A_277 : vector<16xi32>
      %or3A_279 = arith.ori %shift_left3A_278, %iota3A : vector<16xi32>
      %jit3A_280 = arith.constant 2147483647 : i32
      %broadcast_in_dim3A_281 = vector.broadcast %jit3A_280 : i32 to vector<16xi32>
      %select_n3A_282 = arith.select %eq3A_264, %or3A_279, %broadcast_in_dim3A_281 : vector<16xi1>, vector<16xi32>
      %sort3A_283 = arith.constant dense<true> : vector<16xi1>
      %sort3A_284, %sort3A_285, %sort3A_286 = tpu.sort %select_n3A_282, %select_n3A_282 masked %sort3A_283 : (vector<16xi32>, vector<16xi32>, vector<16xi1>) -> (vector<16xi1>, vector<16xi32>, vector<16xi32>)
      %shift_right_arithmetic3A_287 = arith.constant 4 : i32
      %shift_right_arithmetic3A_288 = vector.broadcast %shift_right_arithmetic3A_287 : i32 to vector<16xi32>
      %shift_right_arithmetic3A_289 = arith.shrsi %sort3A_285, %shift_right_arithmetic3A_288 : vector<16xi32>
      %mul3A_290 = arith.constant 16 : i32
      %mul3A_291 = arith.muli %add3A_255, %mul3A_290 : i32
      %and3A_292 = arith.constant 15 : i32
      %and3A_293 = vector.broadcast %and3A_292 : i32 to vector<16xi32>
      %and3A_294 = arith.andi %sort3A_285, %and3A_293 : vector<16xi32>
      %add3A_295 = vector.broadcast %mul3A_291 : i32 to vector<16xi32>
      %add3A_296 = arith.addi %add3A_295, %and3A_294 : vector<16xi32>
      %add3A_297 = arith.constant 1 : i32
      %add3A_298 = vector.broadcast %add3A_297 : i32 to vector<16xi32>
      %add3A_299 = arith.addi %iota3A, %add3A_298 : vector<16xi32>
      %min3A_300 = arith.constant 15 : i32
      %min3A_301 = vector.broadcast %min3A_300 : i32 to vector<16xi32>
      %min3A_302 = arith.minsi %add3A_299, %min3A_301 : vector<16xi32>
      %broadcast_in_dim3A_303 = vector.shape_cast %min3A_302 : vector<16xi32> to vector<16x1xi32>
      %gather3A_304 = vector.shape_cast %broadcast_in_dim3A_303 : vector<16x1xi32> to vector<16xi32>
      %gather3A_305 = tpu.dynamic_gather %shift_right_arithmetic3A_289[%gather3A_304] in [0] : vector<16xi32>, vector<16xi32> -> vector<16xi32>
      %sub3A_306 = arith.constant 1 : i32
      %sub3A_307 = vector.broadcast %sub3A_306 : i32 to vector<16xi32>
      %sub3A_308 = arith.subi %iota3A, %sub3A_307 : vector<16xi32>
      %max3A_309 = arith.constant 0 : i32
      %max3A_310 = vector.broadcast %max3A_309 : i32 to vector<16xi32>
      %max3A_311 = arith.maxsi %sub3A_308, %max3A_310 : vector<16xi32>
      %broadcast_in_dim3A_312 = vector.shape_cast %max3A_311 : vector<16xi32> to vector<16x1xi32>
      %gather3A_313 = vector.shape_cast %broadcast_in_dim3A_312 : vector<16x1xi32> to vector<16xi32>
      %gather3A_314 = tpu.dynamic_gather %shift_right_arithmetic3A_289[%gather3A_313] in [0] : vector<16xi32>, vector<16xi32> -> vector<16xi32>
      %ne3A_315 = arith.constant 2147483647 : i32
      %ne3A_316 = vector.broadcast %ne3A_315 : i32 to vector<16xi32>
      %ne3A_317 = arith.cmpi ne, %sort3A_285, %ne3A_316 : vector<16xi32>
      %ne3A_318 = arith.cmpi ne, %shift_right_arithmetic3A_289, %gather3A_305 : vector<16xi32>
      %eq3A_319 = arith.constant 15 : i32
      %eq3A_320 = vector.broadcast %eq3A_319 : i32 to vector<16xi32>
      %eq3A_321 = arith.cmpi eq, %iota3A, %eq3A_320 : vector<16xi32>
      %or3A_322 = arith.ori %ne3A_318, %eq3A_321 : vector<16xi1>
      %and3A_323 = arith.andi %or3A_322, %ne3A_317 : vector<16xi1>
      %ne3A_324 = arith.cmpi ne, %shift_right_arithmetic3A_289, %gather3A_314 : vector<16xi32>
      %eq3A_325 = arith.constant 0 : i32
      %eq3A_326 = vector.broadcast %eq3A_325 : i32 to vector<16xi32>
      %eq3A_327 = arith.cmpi eq, %iota3A, %eq3A_326 : vector<16xi32>
      %or3A_328 = arith.ori %ne3A_324, %eq3A_327 : vector<16xi1>
      %jit3A_329 = arith.constant -1 : i32
      %broadcast_in_dim3A_330 = vector.broadcast %jit3A_329 : i32 to vector<16xi32>
      %select_n3A_331 = arith.select %or3A_328, %iota3A, %broadcast_in_dim3A_330 : vector<16xi1>, vector<16xi32>
      %broadcast_in_dim3A_332 = arith.constant true
      %broadcast_in_dim3A_333 = vector.broadcast %broadcast_in_dim3A_332 : i1 to vector<16xi1>
      %masked_cummax3A_334 = arith.constant -2147483648 : i32
      %masked_cummax3A_335 = vector.broadcast %masked_cummax3A_334 : i32 to vector<16xi32>
      %masked_cummax3A_336 = arith.xori %select_n3A_331, %masked_cummax3A_335 : vector<16xi32>
      %masked_cummax3A_337 = tpu.scan <max>, %masked_cummax3A_336 masked %broadcast_in_dim3A_333 : vector<16xi32>, vector<16xi1> -> vector<16xi32>
      %masked_cummax3A_338 = arith.xori %masked_cummax3A_337, %masked_cummax3A_335 : vector<16xi32>
      %sub3A_339 = arith.subi %iota3A, %masked_cummax3A_338 : vector<16xi32>
      %add3A_340 = arith.constant 1 : i32
      %add3A_341 = vector.broadcast %add3A_340 : i32 to vector<16xi32>
      %add3A_342 = arith.addi %sub3A_339, %add3A_341 : vector<16xi32>
      %convert_element_type3A_343 = arith.sitofp %add3A_342 : vector<16xi32> to vector<16xf32>
      %shift_left3A_344 = arith.constant 15 : i32
      %shift_left3A_345 = arith.shli %add3A, %shift_left3A_344 : i32
      %sub3A_346 = vector.broadcast %shift_left3A_345 : i32 to vector<16xi32>
      %sub3A_347 = arith.subi %shift_right_arithmetic3A_289, %sub3A_346 : vector<16xi32>
      %and3A_348 = arith.constant 32767 : i32
      %and3A_349 = vector.broadcast %and3A_348 : i32 to vector<16xi32>
      %and3A_350 = arith.andi %sub3A_347, %and3A_349 : vector<16xi32>
      tpu.vector_store_idx %arg11[%and3A_350], %add3A_296 masked %and3A_323 : memref<32768xi32, #tpu.memory_space<vmem>>[vector<16xi32>], vector<16xi32>, vector<16xi1>
      tpu.vector_store_idx %arg12[%and3A_350], %convert_element_type3A_343 masked %and3A_323 {add = true} : memref<32768xf32, #tpu.memory_space<vmem>>[vector<16xi32>], vector<16xf32>, vector<16xi1>
      %add3A_351 = arith.addi %add3A_251, %reduce_sum3A_269 : i32
      %mul3A_352 = arith.constant 4 : i32
      %mul3A_353 = arith.muli %scan3A_62, %mul3A_352 : i32
      %add3A_354 = arith.constant 3 : i32
      %add3A_355 = arith.addi %mul3A_353, %add3A_354 : i32
      %mul3A_356 = arith.constant 16 : i32
      %mul3A_357 = arith.muli %add3A_355, %mul3A_356 : i32
      %get3A_358 = arith.index_cast %mul3A_357 : i32 to index
      %get3A_359 = tpu.vector_load %arg10[%get3A_358] {strides = array<i32>} : memref<16512xi32, #tpu.memory_space<vmem>>, vector<16xi32>,
      %shift_right_arithmetic3A_360 = arith.constant 15 : i32
      %shift_right_arithmetic3A_361 = vector.broadcast %shift_right_arithmetic3A_360 : i32 to vector<16xi32>
      %shift_right_arithmetic3A_362 = arith.shrsi %get3A_359, %shift_right_arithmetic3A_361 : vector<16xi32>
      %eq3A_363 = vector.broadcast %add3A : i32 to vector<16xi32>
      %eq3A_364 = arith.cmpi eq, %shift_right_arithmetic3A_362, %eq3A_363 : vector<16xi32>
      %convert_element_type3A_365 = arith.extui %eq3A_364 : vector<16xi1> to vector<16xi32>
      %reduce_sum3A_366 = arith.constant true
      %reduce_sum3A_367 = vector.broadcast %reduce_sum3A_366 : i1 to vector<16xi1>
      %reduce_sum3A_368 = tpu.scan <sum>, %convert_element_type3A_365 masked %reduce_sum3A_367 : vector<16xi32>, vector<16xi1> -> vector<16xi32>
      %reduce_sum3A_369 = vector.extract %reduce_sum3A_368[15] : i32 from vector<16xi32>
      %mul3A_370 = arith.constant 16 : i32
      %mul3A_371 = arith.muli %add3A_355, %mul3A_370 : i32
      %add3A_372 = vector.broadcast %mul3A_371 : i32 to vector<16xi32>
      %add3A_373 = arith.addi %add3A_372, %iota3A : vector<16xi32>
      %swap3A_374 = arith.index_cast %add3A_351 : i32 to index
      %swap3A_375 = tpu.vector_load %arg13[%swap3A_374] masked %eq3A_364 {strides = array<i32>} : memref<16512xi32, #tpu.memory_space<vmem>>, vector<16xi32>, vector<16xi1>
      tpu.vector_store %arg13[%swap3A_374], %add3A_373 masked %eq3A_364 {strides = array<i32>} : memref<16512xi32, #tpu.memory_space<vmem>>, vector<16xi32>, vector<16xi1>
      %shift_left3A_376 = arith.constant 4 : i32
      %shift_left3A_377 = vector.broadcast %shift_left3A_376 : i32 to vector<16xi32>
      %shift_left3A_378 = arith.shli %get3A_359, %shift_left3A_377 : vector<16xi32>
      %or3A_379 = arith.ori %shift_left3A_378, %iota3A : vector<16xi32>
      %jit3A_380 = arith.constant 2147483647 : i32
      %broadcast_in_dim3A_381 = vector.broadcast %jit3A_380 : i32 to vector<16xi32>
      %select_n3A_382 = arith.select %eq3A_364, %or3A_379, %broadcast_in_dim3A_381 : vector<16xi1>, vector<16xi32>
      %sort3A_383 = arith.constant dense<true> : vector<16xi1>
      %sort3A_384, %sort3A_385, %sort3A_386 = tpu.sort %select_n3A_382, %select_n3A_382 masked %sort3A_383 : (vector<16xi32>, vector<16xi32>, vector<16xi1>) -> (vector<16xi1>, vector<16xi32>, vector<16xi32>)
      %shift_right_arithmetic3A_387 = arith.constant 4 : i32
      %shift_right_arithmetic3A_388 = vector.broadcast %shift_right_arithmetic3A_387 : i32 to vector<16xi32>
      %shift_right_arithmetic3A_389 = arith.shrsi %sort3A_385, %shift_right_arithmetic3A_388 : vector<16xi32>
      %mul3A_390 = arith.constant 16 : i32
      %mul3A_391 = arith.muli %add3A_355, %mul3A_390 : i32
      %and3A_392 = arith.constant 15 : i32
      %and3A_393 = vector.broadcast %and3A_392 : i32 to vector<16xi32>
      %and3A_394 = arith.andi %sort3A_385, %and3A_393 : vector<16xi32>
      %add3A_395 = vector.broadcast %mul3A_391 : i32 to vector<16xi32>
      %add3A_396 = arith.addi %add3A_395, %and3A_394 : vector<16xi32>
      %add3A_397 = arith.constant 1 : i32
      %add3A_398 = vector.broadcast %add3A_397 : i32 to vector<16xi32>
      %add3A_399 = arith.addi %iota3A, %add3A_398 : vector<16xi32>
      %min3A_400 = arith.constant 15 : i32
      %min3A_401 = vector.broadcast %min3A_400 : i32 to vector<16xi32>
      %min3A_402 = arith.minsi %add3A_399, %min3A_401 : vector<16xi32>
      %broadcast_in_dim3A_403 = vector.shape_cast %min3A_402 : vector<16xi32> to vector<16x1xi32>
      %gather3A_404 = vector.shape_cast %broadcast_in_dim3A_403 : vector<16x1xi32> to vector<16xi32>
      %gather3A_405 = tpu.dynamic_gather %shift_right_arithmetic3A_389[%gather3A_404] in [0] : vector<16xi32>, vector<16xi32> -> vector<16xi32>
      %sub3A_406 = arith.constant 1 : i32
      %sub3A_407 = vector.broadcast %sub3A_406 : i32 to vector<16xi32>
      %sub3A_408 = arith.subi %iota3A, %sub3A_407 : vector<16xi32>
      %max3A_409 = arith.constant 0 : i32
      %max3A_410 = vector.broadcast %max3A_409 : i32 to vector<16xi32>
      %max3A_411 = arith.maxsi %sub3A_408, %max3A_410 : vector<16xi32>
      %broadcast_in_dim3A_412 = vector.shape_cast %max3A_411 : vector<16xi32> to vector<16x1xi32>
      %gather3A_413 = vector.shape_cast %broadcast_in_dim3A_412 : vector<16x1xi32> to vector<16xi32>
      %gather3A_414 = tpu.dynamic_gather %shift_right_arithmetic3A_389[%gather3A_413] in [0] : vector<16xi32>, vector<16xi32> -> vector<16xi32>
      %ne3A_415 = arith.constant 2147483647 : i32
      %ne3A_416 = vector.broadcast %ne3A_415 : i32 to vector<16xi32>
      %ne3A_417 = arith.cmpi ne, %sort3A_385, %ne3A_416 : vector<16xi32>
      %ne3A_418 = arith.cmpi ne, %shift_right_arithmetic3A_389, %gather3A_405 : vector<16xi32>
      %eq3A_419 = arith.constant 15 : i32
      %eq3A_420 = vector.broadcast %eq3A_419 : i32 to vector<16xi32>
      %eq3A_421 = arith.cmpi eq, %iota3A, %eq3A_420 : vector<16xi32>
      %or3A_422 = arith.ori %ne3A_418, %eq3A_421 : vector<16xi1>
      %and3A_423 = arith.andi %or3A_422, %ne3A_417 : vector<16xi1>
      %ne3A_424 = arith.cmpi ne, %shift_right_arithmetic3A_389, %gather3A_414 : vector<16xi32>
      %eq3A_425 = arith.constant 0 : i32
      %eq3A_426 = vector.broadcast %eq3A_425 : i32 to vector<16xi32>
      %eq3A_427 = arith.cmpi eq, %iota3A, %eq3A_426 : vector<16xi32>
      %or3A_428 = arith.ori %ne3A_424, %eq3A_427 : vector<16xi1>
      %jit3A_429 = arith.constant -1 : i32
      %broadcast_in_dim3A_430 = vector.broadcast %jit3A_429 : i32 to vector<16xi32>
      %select_n3A_431 = arith.select %or3A_428, %iota3A, %broadcast_in_dim3A_430 : vector<16xi1>, vector<16xi32>
      %broadcast_in_dim3A_432 = arith.constant true
      %broadcast_in_dim3A_433 = vector.broadcast %broadcast_in_dim3A_432 : i1 to vector<16xi1>
      %masked_cummax3A_434 = arith.constant -2147483648 : i32
      %masked_cummax3A_435 = vector.broadcast %masked_cummax3A_434 : i32 to vector<16xi32>
      %masked_cummax3A_436 = arith.xori %select_n3A_431, %masked_cummax3A_435 : vector<16xi32>
      %masked_cummax3A_437 = tpu.scan <max>, %masked_cummax3A_436 masked %broadcast_in_dim3A_433 : vector<16xi32>, vector<16xi1> -> vector<16xi32>
      %masked_cummax3A_438 = arith.xori %masked_cummax3A_437, %masked_cummax3A_435 : vector<16xi32>
      %sub3A_439 = arith.subi %iota3A, %masked_cummax3A_438 : vector<16xi32>
      %add3A_440 = arith.constant 1 : i32
      %add3A_441 = vector.broadcast %add3A_440 : i32 to vector<16xi32>
      %add3A_442 = arith.addi %sub3A_439, %add3A_441 : vector<16xi32>
      %convert_element_type3A_443 = arith.sitofp %add3A_442 : vector<16xi32> to vector<16xf32>
      %shift_left3A_444 = arith.constant 15 : i32
      %shift_left3A_445 = arith.shli %add3A, %shift_left3A_444 : i32
      %sub3A_446 = vector.broadcast %shift_left3A_445 : i32 to vector<16xi32>
      %sub3A_447 = arith.subi %shift_right_arithmetic3A_389, %sub3A_446 : vector<16xi32>
      %and3A_448 = arith.constant 32767 : i32
      %and3A_449 = vector.broadcast %and3A_448 : i32 to vector<16xi32>
      %and3A_450 = arith.andi %sub3A_447, %and3A_449 : vector<16xi32>
      tpu.vector_store_idx %arg11[%and3A_450], %add3A_396 masked %and3A_423 : memref<32768xi32, #tpu.memory_space<vmem>>[vector<16xi32>], vector<16xi32>, vector<16xi1>
      tpu.vector_store_idx %arg12[%and3A_450], %convert_element_type3A_443 masked %and3A_423 {add = true} : memref<32768xf32, #tpu.memory_space<vmem>>[vector<16xi32>], vector<16xf32>, vector<16xi1>
      %add3A_451 = arith.addi %add3A_351, %reduce_sum3A_369 : i32
      scf.yield %add3A_451 : i32
    }
    %scan3A_19 = arith.constant 256 : i32
    %gt3A = arith.constant 0 : i32
    %gt3A_20 = arith.cmpi sgt, %scan3A_18, %gt3A : i32
    %convert_element_type3A = arith.extui %gt3A_20 : i1 to i32
    %cond3A = arith.constant 0 : i32
    %cond3A_21 = arith.cmpi ne, %convert_element_type3A, %cond3A : i32
    scf.if %cond3A_21 {
      %broadcast_in_dim3A = arith.constant 0 : i32
      %broadcast_in_dim3A_62 = vector.broadcast %broadcast_in_dim3A : i32 to vector<16xi32>
      %gather3A = tpu.vector_load_idx %arg13[%broadcast_in_dim3A_62] : memref<16512xi32, #tpu.memory_space<vmem>>[vector<16xi32>], vector<16xi32>,
      %add3A_63 = arith.constant 0 : i32
      %add3A_64 = arith.addi %scan3A_18, %add3A_63 : i32
      %swap3A = arith.index_cast %add3A_64 : i32 to index
      %swap3A_65 = tpu.vector_load %arg13[%swap3A] {strides = array<i32>} : memref<16512xi32, #tpu.memory_space<vmem>>, vector<16xi32>,
      tpu.vector_store %arg13[%swap3A], %gather3A {strides = array<i32>} : memref<16512xi32, #tpu.memory_space<vmem>>, vector<16xi32>,
      %add3A_66 = arith.constant 16 : i32
      %add3A_67 = arith.addi %scan3A_18, %add3A_66 : i32
      %swap3A_68 = arith.index_cast %add3A_67 : i32 to index
      %swap3A_69 = tpu.vector_load %arg13[%swap3A_68] {strides = array<i32>} : memref<16512xi32, #tpu.memory_space<vmem>>, vector<16xi32>,
      tpu.vector_store %arg13[%swap3A_68], %gather3A {strides = array<i32>} : memref<16512xi32, #tpu.memory_space<vmem>>, vector<16xi32>,
      %add3A_70 = arith.constant 32 : i32
      %add3A_71 = arith.addi %scan3A_18, %add3A_70 : i32
      %swap3A_72 = arith.index_cast %add3A_71 : i32 to index
      %swap3A_73 = tpu.vector_load %arg13[%swap3A_72] {strides = array<i32>} : memref<16512xi32, #tpu.memory_space<vmem>>, vector<16xi32>,
      tpu.vector_store %arg13[%swap3A_72], %gather3A {strides = array<i32>} : memref<16512xi32, #tpu.memory_space<vmem>>, vector<16xi32>,
      %add3A_74 = arith.constant 48 : i32
      %add3A_75 = arith.addi %scan3A_18, %add3A_74 : i32
      %swap3A_76 = arith.index_cast %add3A_75 : i32 to index
      %swap3A_77 = tpu.vector_load %arg13[%swap3A_76] {strides = array<i32>} : memref<16512xi32, #tpu.memory_space<vmem>>, vector<16xi32>,
      tpu.vector_store %arg13[%swap3A_76], %gather3A {strides = array<i32>} : memref<16512xi32, #tpu.memory_space<vmem>>, vector<16xi32>,
      %add3A_78 = arith.constant 64 : i32
      %add3A_79 = arith.addi %scan3A_18, %add3A_78 : i32
      %swap3A_80 = arith.index_cast %add3A_79 : i32 to index
      %swap3A_81 = tpu.vector_load %arg13[%swap3A_80] {strides = array<i32>} : memref<16512xi32, #tpu.memory_space<vmem>>, vector<16xi32>,
      tpu.vector_store %arg13[%swap3A_80], %gather3A {strides = array<i32>} : memref<16512xi32, #tpu.memory_space<vmem>>, vector<16xi32>,
      %add3A_82 = arith.constant 80 : i32
      %add3A_83 = arith.addi %scan3A_18, %add3A_82 : i32
      %swap3A_84 = arith.index_cast %add3A_83 : i32 to index
      %swap3A_85 = tpu.vector_load %arg13[%swap3A_84] {strides = array<i32>} : memref<16512xi32, #tpu.memory_space<vmem>>, vector<16xi32>,
      tpu.vector_store %arg13[%swap3A_84], %gather3A {strides = array<i32>} : memref<16512xi32, #tpu.memory_space<vmem>>, vector<16xi32>,
      %add3A_86 = arith.constant 96 : i32
      %add3A_87 = arith.addi %scan3A_18, %add3A_86 : i32
      %swap3A_88 = arith.index_cast %add3A_87 : i32 to index
      %swap3A_89 = tpu.vector_load %arg13[%swap3A_88] {strides = array<i32>} : memref<16512xi32, #tpu.memory_space<vmem>>, vector<16xi32>,
      tpu.vector_store %arg13[%swap3A_88], %gather3A {strides = array<i32>} : memref<16512xi32, #tpu.memory_space<vmem>>, vector<16xi32>,
      %add3A_90 = arith.constant 112 : i32
      %add3A_91 = arith.addi %scan3A_18, %add3A_90 : i32
      %swap3A_92 = arith.index_cast %add3A_91 : i32 to index
      %swap3A_93 = tpu.vector_load %arg13[%swap3A_92] {strides = array<i32>} : memref<16512xi32, #tpu.memory_space<vmem>>, vector<16xi32>,
      tpu.vector_store %arg13[%swap3A_92], %gather3A {strides = array<i32>} : memref<16512xi32, #tpu.memory_space<vmem>>, vector<16xi32>,
    } else {
    }
    %add3A_22 = arith.constant 128 : i32
    %add3A_23 = arith.addi %scan3A_18, %add3A_22 : i32
    %sub3A = arith.constant 1 : i32
    %sub3A_24 = arith.subi %add3A_23, %sub3A : i32
    %shift_right_arithmetic3A = arith.constant 7 : i32
    %shift_right_arithmetic3A_25 = arith.shrsi %sub3A_24, %shift_right_arithmetic3A : i32
    %while3A = arith.constant 0 : i32
    %while3A_26 = arith.constant 0 : i32
    %while3A_27 = arith.subi %shift_right_arithmetic3A_25, %while3A : i32
    %while3A_28 = arith.addi %while3A, %while3A_27 : i32
    %while3A_29 = arith.constant 1 : i32
    %while3A_30 = arith.divsi %while3A_27, %while3A_29 : i32
    %while3A_31 = arith.muli %while3A_30, %while3A_29 : i32
    %while3A_32 = arith.addi %while3A, %while3A_31 : i32
    %while3A_33 = arith.constant 1 : i32
    %while3A_34 = scf.for %while3A_62 = %while3A to %while3A_32 step %while3A_33 iter_args(%while3A_63 = %while3A_26) -> (i32)  : i32 {
      %mul3A_64 = arith.constant 128 : i32
      %mul3A_65 = arith.muli %while3A_62, %mul3A_64 : i32
      %add3A_66 = arith.constant 0 : i32
      %add3A_67 = arith.addi %mul3A_65, %add3A_66 : i32
      %get3A_68 = arith.index_cast %add3A_67 : i32 to index
      %get3A_69 = tpu.vector_load %arg13[%get3A_68] {strides = array<i32>} : memref<16512xi32, #tpu.memory_space<vmem>>, vector<16xi32>,
      %gather3A = tpu.vector_load_idx %arg10[%get3A_69] : memref<16512xi32, #tpu.memory_space<vmem>>[vector<16xi32>], vector<16xi32>,
      %shift_left3A_70 = arith.constant 15 : i32
      %shift_left3A_71 = arith.shli %add3A, %shift_left3A_70 : i32
      %sub3A_72 = vector.broadcast %shift_left3A_71 : i32 to vector<16xi32>
      %sub3A_73 = arith.subi %gather3A, %sub3A_72 : vector<16xi32>
      %and3A = arith.constant 32767 : i32
      %and3A_74 = vector.broadcast %and3A : i32 to vector<16xi32>
      %and3A_75 = arith.andi %sub3A_73, %and3A_74 : vector<16xi32>
      %gather3A_76 = tpu.vector_load_idx %arg11[%and3A_75] : memref<32768xi32, #tpu.memory_space<vmem>>[vector<16xi32>], vector<16xi32>,
      %and3A_77 = arith.constant 16383 : i32
      %and3A_78 = vector.broadcast %and3A_77 : i32 to vector<16xi32>
      %and3A_79 = arith.andi %gather3A_76, %and3A_78 : vector<16xi32>
      %swap3A = arith.constant 0 : index
      %swap3A_80 = tpu.vector_load %arg14[%swap3A] {strides = array<i32>} : memref<128xi32, #tpu.memory_space<vmem>>, vector<16xi32>,
      tpu.vector_store %arg14[%swap3A], %get3A_69 {strides = array<i32>} : memref<128xi32, #tpu.memory_space<vmem>>, vector<16xi32>,
      %swap3A_81 = arith.constant 0 : index
      %swap3A_82 = tpu.vector_load %arg15[%swap3A_81] {strides = array<i32>} : memref<128xi32, #tpu.memory_space<vmem>>, vector<16xi32>,
      tpu.vector_store %arg15[%swap3A_81], %and3A_79 {strides = array<i32>} : memref<128xi32, #tpu.memory_space<vmem>>, vector<16xi32>,
      %add3A_83 = arith.constant 16 : i32
      %add3A_84 = arith.addi %mul3A_65, %add3A_83 : i32
      %get3A_85 = arith.index_cast %add3A_84 : i32 to index
      %get3A_86 = tpu.vector_load %arg13[%get3A_85] {strides = array<i32>} : memref<16512xi32, #tpu.memory_space<vmem>>, vector<16xi32>,
      %gather3A_87 = tpu.vector_load_idx %arg10[%get3A_86] : memref<16512xi32, #tpu.memory_space<vmem>>[vector<16xi32>], vector<16xi32>,
      %shift_left3A_88 = arith.constant 15 : i32
      %shift_left3A_89 = arith.shli %add3A, %shift_left3A_88 : i32
      %sub3A_90 = vector.broadcast %shift_left3A_89 : i32 to vector<16xi32>
      %sub3A_91 = arith.subi %gather3A_87, %sub3A_90 : vector<16xi32>
      %and3A_92 = arith.constant 32767 : i32
      %and3A_93 = vector.broadcast %and3A_92 : i32 to vector<16xi32>
      %and3A_94 = arith.andi %sub3A_91, %and3A_93 : vector<16xi32>
      %gather3A_95 = tpu.vector_load_idx %arg11[%and3A_94] : memref<32768xi32, #tpu.memory_space<vmem>>[vector<16xi32>], vector<16xi32>,
      %and3A_96 = arith.constant 16383 : i32
      %and3A_97 = vector.broadcast %and3A_96 : i32 to vector<16xi32>
      %and3A_98 = arith.andi %gather3A_95, %and3A_97 : vector<16xi32>
      %swap3A_99 = arith.constant 16 : index
      %swap3A_100 = tpu.vector_load %arg14[%swap3A_99] {strides = array<i32>} : memref<128xi32, #tpu.memory_space<vmem>>, vector<16xi32>,
      tpu.vector_store %arg14[%swap3A_99], %get3A_86 {strides = array<i32>} : memref<128xi32, #tpu.memory_space<vmem>>, vector<16xi32>,
      %swap3A_101 = arith.constant 16 : index
      %swap3A_102 = tpu.vector_load %arg15[%swap3A_101] {strides = array<i32>} : memref<128xi32, #tpu.memory_space<vmem>>, vector<16xi32>,
      tpu.vector_store %arg15[%swap3A_101], %and3A_98 {strides = array<i32>} : memref<128xi32, #tpu.memory_space<vmem>>, vector<16xi32>,
      %add3A_103 = arith.constant 32 : i32
      %add3A_104 = arith.addi %mul3A_65, %add3A_103 : i32
      %get3A_105 = arith.index_cast %add3A_104 : i32 to index
      %get3A_106 = tpu.vector_load %arg13[%get3A_105] {strides = array<i32>} : memref<16512xi32, #tpu.memory_space<vmem>>, vector<16xi32>,
      %gather3A_107 = tpu.vector_load_idx %arg10[%get3A_106] : memref<16512xi32, #tpu.memory_space<vmem>>[vector<16xi32>], vector<16xi32>,
      %shift_left3A_108 = arith.constant 15 : i32
      %shift_left3A_109 = arith.shli %add3A, %shift_left3A_108 : i32
      %sub3A_110 = vector.broadcast %shift_left3A_109 : i32 to vector<16xi32>
      %sub3A_111 = arith.subi %gather3A_107, %sub3A_110 : vector<16xi32>
      %and3A_112 = arith.constant 32767 : i32
      %and3A_113 = vector.broadcast %and3A_112 : i32 to vector<16xi32>
      %and3A_114 = arith.andi %sub3A_111, %and3A_113 : vector<16xi32>
      %gather3A_115 = tpu.vector_load_idx %arg11[%and3A_114] : memref<32768xi32, #tpu.memory_space<vmem>>[vector<16xi32>], vector<16xi32>,
      %and3A_116 = arith.constant 16383 : i32
      %and3A_117 = vector.broadcast %and3A_116 : i32 to vector<16xi32>
      %and3A_118 = arith.andi %gather3A_115, %and3A_117 : vector<16xi32>
      %swap3A_119 = arith.constant 32 : index
      %swap3A_120 = tpu.vector_load %arg14[%swap3A_119] {strides = array<i32>} : memref<128xi32, #tpu.memory_space<vmem>>, vector<16xi32>,
      tpu.vector_store %arg14[%swap3A_119], %get3A_106 {strides = array<i32>} : memref<128xi32, #tpu.memory_space<vmem>>, vector<16xi32>,
      %swap3A_121 = arith.constant 32 : index
      %swap3A_122 = tpu.vector_load %arg15[%swap3A_121] {strides = array<i32>} : memref<128xi32, #tpu.memory_space<vmem>>, vector<16xi32>,
      tpu.vector_store %arg15[%swap3A_121], %and3A_118 {strides = array<i32>} : memref<128xi32, #tpu.memory_space<vmem>>, vector<16xi32>,
      %add3A_123 = arith.constant 48 : i32
      %add3A_124 = arith.addi %mul3A_65, %add3A_123 : i32
      %get3A_125 = arith.index_cast %add3A_124 : i32 to index
      %get3A_126 = tpu.vector_load %arg13[%get3A_125] {strides = array<i32>} : memref<16512xi32, #tpu.memory_space<vmem>>, vector<16xi32>,
      %gather3A_127 = tpu.vector_load_idx %arg10[%get3A_126] : memref<16512xi32, #tpu.memory_space<vmem>>[vector<16xi32>], vector<16xi32>,
      %shift_left3A_128 = arith.constant 15 : i32
      %shift_left3A_129 = arith.shli %add3A, %shift_left3A_128 : i32
      %sub3A_130 = vector.broadcast %shift_left3A_129 : i32 to vector<16xi32>
      %sub3A_131 = arith.subi %gather3A_127, %sub3A_130 : vector<16xi32>
      %and3A_132 = arith.constant 32767 : i32
      %and3A_133 = vector.broadcast %and3A_132 : i32 to vector<16xi32>
      %and3A_134 = arith.andi %sub3A_131, %and3A_133 : vector<16xi32>
      %gather3A_135 = tpu.vector_load_idx %arg11[%and3A_134] : memref<32768xi32, #tpu.memory_space<vmem>>[vector<16xi32>], vector<16xi32>,
      %and3A_136 = arith.constant 16383 : i32
      %and3A_137 = vector.broadcast %and3A_136 : i32 to vector<16xi32>
      %and3A_138 = arith.andi %gather3A_135, %and3A_137 : vector<16xi32>
      %swap3A_139 = arith.constant 48 : index
      %swap3A_140 = tpu.vector_load %arg14[%swap3A_139] {strides = array<i32>} : memref<128xi32, #tpu.memory_space<vmem>>, vector<16xi32>,
      tpu.vector_store %arg14[%swap3A_139], %get3A_126 {strides = array<i32>} : memref<128xi32, #tpu.memory_space<vmem>>, vector<16xi32>,
      %swap3A_141 = arith.constant 48 : index
      %swap3A_142 = tpu.vector_load %arg15[%swap3A_141] {strides = array<i32>} : memref<128xi32, #tpu.memory_space<vmem>>, vector<16xi32>,
      tpu.vector_store %arg15[%swap3A_141], %and3A_138 {strides = array<i32>} : memref<128xi32, #tpu.memory_space<vmem>>, vector<16xi32>,
      %add3A_143 = arith.constant 64 : i32
      %add3A_144 = arith.addi %mul3A_65, %add3A_143 : i32
      %get3A_145 = arith.index_cast %add3A_144 : i32 to index
      %get3A_146 = tpu.vector_load %arg13[%get3A_145] {strides = array<i32>} : memref<16512xi32, #tpu.memory_space<vmem>>, vector<16xi32>,
      %gather3A_147 = tpu.vector_load_idx %arg10[%get3A_146] : memref<16512xi32, #tpu.memory_space<vmem>>[vector<16xi32>], vector<16xi32>,
      %shift_left3A_148 = arith.constant 15 : i32
      %shift_left3A_149 = arith.shli %add3A, %shift_left3A_148 : i32
      %sub3A_150 = vector.broadcast %shift_left3A_149 : i32 to vector<16xi32>
      %sub3A_151 = arith.subi %gather3A_147, %sub3A_150 : vector<16xi32>
      %and3A_152 = arith.constant 32767 : i32
      %and3A_153 = vector.broadcast %and3A_152 : i32 to vector<16xi32>
      %and3A_154 = arith.andi %sub3A_151, %and3A_153 : vector<16xi32>
      %gather3A_155 = tpu.vector_load_idx %arg11[%and3A_154] : memref<32768xi32, #tpu.memory_space<vmem>>[vector<16xi32>], vector<16xi32>,
      %and3A_156 = arith.constant 16383 : i32
      %and3A_157 = vector.broadcast %and3A_156 : i32 to vector<16xi32>
      %and3A_158 = arith.andi %gather3A_155, %and3A_157 : vector<16xi32>
      %swap3A_159 = arith.constant 64 : index
      %swap3A_160 = tpu.vector_load %arg14[%swap3A_159] {strides = array<i32>} : memref<128xi32, #tpu.memory_space<vmem>>, vector<16xi32>,
      tpu.vector_store %arg14[%swap3A_159], %get3A_146 {strides = array<i32>} : memref<128xi32, #tpu.memory_space<vmem>>, vector<16xi32>,
      %swap3A_161 = arith.constant 64 : index
      %swap3A_162 = tpu.vector_load %arg15[%swap3A_161] {strides = array<i32>} : memref<128xi32, #tpu.memory_space<vmem>>, vector<16xi32>,
      tpu.vector_store %arg15[%swap3A_161], %and3A_158 {strides = array<i32>} : memref<128xi32, #tpu.memory_space<vmem>>, vector<16xi32>,
      %add3A_163 = arith.constant 80 : i32
      %add3A_164 = arith.addi %mul3A_65, %add3A_163 : i32
      %get3A_165 = arith.index_cast %add3A_164 : i32 to index
      %get3A_166 = tpu.vector_load %arg13[%get3A_165] {strides = array<i32>} : memref<16512xi32, #tpu.memory_space<vmem>>, vector<16xi32>,
      %gather3A_167 = tpu.vector_load_idx %arg10[%get3A_166] : memref<16512xi32, #tpu.memory_space<vmem>>[vector<16xi32>], vector<16xi32>,
      %shift_left3A_168 = arith.constant 15 : i32
      %shift_left3A_169 = arith.shli %add3A, %shift_left3A_168 : i32
      %sub3A_170 = vector.broadcast %shift_left3A_169 : i32 to vector<16xi32>
      %sub3A_171 = arith.subi %gather3A_167, %sub3A_170 : vector<16xi32>
      %and3A_172 = arith.constant 32767 : i32
      %and3A_173 = vector.broadcast %and3A_172 : i32 to vector<16xi32>
      %and3A_174 = arith.andi %sub3A_171, %and3A_173 : vector<16xi32>
      %gather3A_175 = tpu.vector_load_idx %arg11[%and3A_174] : memref<32768xi32, #tpu.memory_space<vmem>>[vector<16xi32>], vector<16xi32>,
      %and3A_176 = arith.constant 16383 : i32
      %and3A_177 = vector.broadcast %and3A_176 : i32 to vector<16xi32>
      %and3A_178 = arith.andi %gather3A_175, %and3A_177 : vector<16xi32>
      %swap3A_179 = arith.constant 80 : index
      %swap3A_180 = tpu.vector_load %arg14[%swap3A_179] {strides = array<i32>} : memref<128xi32, #tpu.memory_space<vmem>>, vector<16xi32>,
      tpu.vector_store %arg14[%swap3A_179], %get3A_166 {strides = array<i32>} : memref<128xi32, #tpu.memory_space<vmem>>, vector<16xi32>,
      %swap3A_181 = arith.constant 80 : index
      %swap3A_182 = tpu.vector_load %arg15[%swap3A_181] {strides = array<i32>} : memref<128xi32, #tpu.memory_space<vmem>>, vector<16xi32>,
      tpu.vector_store %arg15[%swap3A_181], %and3A_178 {strides = array<i32>} : memref<128xi32, #tpu.memory_space<vmem>>, vector<16xi32>,
      %add3A_183 = arith.constant 96 : i32
      %add3A_184 = arith.addi %mul3A_65, %add3A_183 : i32
      %get3A_185 = arith.index_cast %add3A_184 : i32 to index
      %get3A_186 = tpu.vector_load %arg13[%get3A_185] {strides = array<i32>} : memref<16512xi32, #tpu.memory_space<vmem>>, vector<16xi32>,
      %gather3A_187 = tpu.vector_load_idx %arg10[%get3A_186] : memref<16512xi32, #tpu.memory_space<vmem>>[vector<16xi32>], vector<16xi32>,
      %shift_left3A_188 = arith.constant 15 : i32
      %shift_left3A_189 = arith.shli %add3A, %shift_left3A_188 : i32
      %sub3A_190 = vector.broadcast %shift_left3A_189 : i32 to vector<16xi32>
      %sub3A_191 = arith.subi %gather3A_187, %sub3A_190 : vector<16xi32>
      %and3A_192 = arith.constant 32767 : i32
      %and3A_193 = vector.broadcast %and3A_192 : i32 to vector<16xi32>
      %and3A_194 = arith.andi %sub3A_191, %and3A_193 : vector<16xi32>
      %gather3A_195 = tpu.vector_load_idx %arg11[%and3A_194] : memref<32768xi32, #tpu.memory_space<vmem>>[vector<16xi32>], vector<16xi32>,
      %and3A_196 = arith.constant 16383 : i32
      %and3A_197 = vector.broadcast %and3A_196 : i32 to vector<16xi32>
      %and3A_198 = arith.andi %gather3A_195, %and3A_197 : vector<16xi32>
      %swap3A_199 = arith.constant 96 : index
      %swap3A_200 = tpu.vector_load %arg14[%swap3A_199] {strides = array<i32>} : memref<128xi32, #tpu.memory_space<vmem>>, vector<16xi32>,
      tpu.vector_store %arg14[%swap3A_199], %get3A_186 {strides = array<i32>} : memref<128xi32, #tpu.memory_space<vmem>>, vector<16xi32>,
      %swap3A_201 = arith.constant 96 : index
      %swap3A_202 = tpu.vector_load %arg15[%swap3A_201] {strides = array<i32>} : memref<128xi32, #tpu.memory_space<vmem>>, vector<16xi32>,
      tpu.vector_store %arg15[%swap3A_201], %and3A_198 {strides = array<i32>} : memref<128xi32, #tpu.memory_space<vmem>>, vector<16xi32>,
      %add3A_203 = arith.constant 112 : i32
      %add3A_204 = arith.addi %mul3A_65, %add3A_203 : i32
      %get3A_205 = arith.index_cast %add3A_204 : i32 to index
      %get3A_206 = tpu.vector_load %arg13[%get3A_205] {strides = array<i32>} : memref<16512xi32, #tpu.memory_space<vmem>>, vector<16xi32>,
      %gather3A_207 = tpu.vector_load_idx %arg10[%get3A_206] : memref<16512xi32, #tpu.memory_space<vmem>>[vector<16xi32>], vector<16xi32>,
      %shift_left3A_208 = arith.constant 15 : i32
      %shift_left3A_209 = arith.shli %add3A, %shift_left3A_208 : i32
      %sub3A_210 = vector.broadcast %shift_left3A_209 : i32 to vector<16xi32>
      %sub3A_211 = arith.subi %gather3A_207, %sub3A_210 : vector<16xi32>
      %and3A_212 = arith.constant 32767 : i32
      %and3A_213 = vector.broadcast %and3A_212 : i32 to vector<16xi32>
      %and3A_214 = arith.andi %sub3A_211, %and3A_213 : vector<16xi32>
      %gather3A_215 = tpu.vector_load_idx %arg11[%and3A_214] : memref<32768xi32, #tpu.memory_space<vmem>>[vector<16xi32>], vector<16xi32>,
      %and3A_216 = arith.constant 16383 : i32
      %and3A_217 = vector.broadcast %and3A_216 : i32 to vector<16xi32>
      %and3A_218 = arith.andi %gather3A_215, %and3A_217 : vector<16xi32>
      %swap3A_219 = arith.constant 112 : index
      %swap3A_220 = tpu.vector_load %arg14[%swap3A_219] {strides = array<i32>} : memref<128xi32, #tpu.memory_space<vmem>>, vector<16xi32>,
      tpu.vector_store %arg14[%swap3A_219], %get3A_206 {strides = array<i32>} : memref<128xi32, #tpu.memory_space<vmem>>, vector<16xi32>,
      %swap3A_221 = arith.constant 112 : index
      %swap3A_222 = tpu.vector_load %arg15[%swap3A_221] {strides = array<i32>} : memref<128xi32, #tpu.memory_space<vmem>>, vector<16xi32>,
      tpu.vector_store %arg15[%swap3A_221], %and3A_218 {strides = array<i32>} : memref<128xi32, #tpu.memory_space<vmem>>, vector<16xi32>,
      %dma_start3A_223 = arith.constant 0 : i32
      %dma_start3A_224 = arith.constant 0 : i32
      %dma_start3A_225 = tpu.memref_slice %arg3[%dma_start3A_223, %dma_start3A_224] : memref<16384x64xf32, #tpu.memory_space<hbm>> -> memref<16384x64xf32, #tpu.memory_space<hbm>>
      tpu.enqueue_indirect_dma source(%dma_start3A_225 : memref<16384x64xf32, #tpu.memory_space<hbm>>) target(%arg16 : memref<128x64xf32, #tpu.memory_space<vmem>>) offsets(%arg15 : memref<128xi32, #tpu.memory_space<vmem>>) semaphore(%arg20 : memref<!tpu.dma_semaphore, #tpu.memory_space<semaphore_mem>>)
      %dma_wait3A_226 = arith.constant 0 : i32
      %dma_wait3A_227 = arith.constant 0 : i32
      %dma_wait3A_228 = tpu.memref_slice %arg3[%dma_wait3A_226, %dma_wait3A_227] : memref<16384x64xf32, #tpu.memory_space<hbm>> -> memref<16384x64xf32, #tpu.memory_space<hbm>>
      tpu.wait_indirect_dma semaphore(%arg20 : memref<!tpu.dma_semaphore, #tpu.memory_space<semaphore_mem>>) src(%dma_wait3A_228 : memref<16384x64xf32, #tpu.memory_space<hbm>>) dst(%arg16 : memref<128x64xf32, #tpu.memory_space<vmem>>)
      %dma_start3A_229 = arith.constant 0 : i32
      %dma_start3A_230 = arith.constant 0 : i32
      %dma_start3A_231 = tpu.memref_slice %arg7[%dma_start3A_229, %dma_start3A_230] : memref<16384x64xf32, #tpu.memory_space<hbm>> -> memref<16384x64xf32, #tpu.memory_space<hbm>>
      tpu.enqueue_indirect_dma source(%arg16 : memref<128x64xf32, #tpu.memory_space<vmem>>) target(%dma_start3A_231 : memref<16384x64xf32, #tpu.memory_space<hbm>>) offsets(%arg14 : memref<128xi32, #tpu.memory_space<vmem>>) semaphore(%arg20 : memref<!tpu.dma_semaphore, #tpu.memory_space<semaphore_mem>>)
      %dma_wait3A_232 = arith.constant 0 : i32
      %dma_wait3A_233 = arith.constant 0 : i32
      %dma_wait3A_234 = tpu.memref_slice %arg7[%dma_wait3A_232, %dma_wait3A_233] : memref<16384x64xf32, #tpu.memory_space<hbm>> -> memref<16384x64xf32, #tpu.memory_space<hbm>>
      tpu.wait_indirect_dma semaphore(%arg20 : memref<!tpu.dma_semaphore, #tpu.memory_space<semaphore_mem>>) src(%arg16 : memref<128x64xf32, #tpu.memory_space<vmem>>) dst(%dma_wait3A_234 : memref<16384x64xf32, #tpu.memory_space<hbm>>)
      %while3A_235 = arith.constant 0 : i32
      scf.yield %while3A_235 : i32
    }
    %while3A_35 = arith.constant 1 : i32
    %while3A_36 = scf.for %while3A_62 = %while3A_32 to %while3A_28 step %while3A_35 iter_args(%while3A_63 = %while3A_34) -> (i32)  : i32 {
      %mul3A_64 = arith.constant 128 : i32
      %mul3A_65 = arith.muli %while3A_62, %mul3A_64 : i32
      %add3A_66 = arith.constant 0 : i32
      %add3A_67 = arith.addi %mul3A_65, %add3A_66 : i32
      %get3A_68 = arith.index_cast %add3A_67 : i32 to index
      %get3A_69 = tpu.vector_load %arg13[%get3A_68] {strides = array<i32>} : memref<16512xi32, #tpu.memory_space<vmem>>, vector<16xi32>,
      %gather3A = tpu.vector_load_idx %arg10[%get3A_69] : memref<16512xi32, #tpu.memory_space<vmem>>[vector<16xi32>], vector<16xi32>,
      %shift_left3A_70 = arith.constant 15 : i32
      %shift_left3A_71 = arith.shli %add3A, %shift_left3A_70 : i32
      %sub3A_72 = vector.broadcast %shift_left3A_71 : i32 to vector<16xi32>
      %sub3A_73 = arith.subi %gather3A, %sub3A_72 : vector<16xi32>
      %and3A = arith.constant 32767 : i32
      %and3A_74 = vector.broadcast %and3A : i32 to vector<16xi32>
      %and3A_75 = arith.andi %sub3A_73, %and3A_74 : vector<16xi32>
      %gather3A_76 = tpu.vector_load_idx %arg11[%and3A_75] : memref<32768xi32, #tpu.memory_space<vmem>>[vector<16xi32>], vector<16xi32>,
      %and3A_77 = arith.constant 16383 : i32
      %and3A_78 = vector.broadcast %and3A_77 : i32 to vector<16xi32>
      %and3A_79 = arith.andi %gather3A_76, %and3A_78 : vector<16xi32>
      %swap3A = arith.constant 0 : index
      %swap3A_80 = tpu.vector_load %arg14[%swap3A] {strides = array<i32>} : memref<128xi32, #tpu.memory_space<vmem>>, vector<16xi32>,
      tpu.vector_store %arg14[%swap3A], %get3A_69 {strides = array<i32>} : memref<128xi32, #tpu.memory_space<vmem>>, vector<16xi32>,
      %swap3A_81 = arith.constant 0 : index
      %swap3A_82 = tpu.vector_load %arg15[%swap3A_81] {strides = array<i32>} : memref<128xi32, #tpu.memory_space<vmem>>, vector<16xi32>,
      tpu.vector_store %arg15[%swap3A_81], %and3A_79 {strides = array<i32>} : memref<128xi32, #tpu.memory_space<vmem>>, vector<16xi32>,
      %add3A_83 = arith.constant 16 : i32
      %add3A_84 = arith.addi %mul3A_65, %add3A_83 : i32
      %get3A_85 = arith.index_cast %add3A_84 : i32 to index
      %get3A_86 = tpu.vector_load %arg13[%get3A_85] {strides = array<i32>} : memref<16512xi32, #tpu.memory_space<vmem>>, vector<16xi32>,
      %gather3A_87 = tpu.vector_load_idx %arg10[%get3A_86] : memref<16512xi32, #tpu.memory_space<vmem>>[vector<16xi32>], vector<16xi32>,
      %shift_left3A_88 = arith.constant 15 : i32
      %shift_left3A_89 = arith.shli %add3A, %shift_left3A_88 : i32
      %sub3A_90 = vector.broadcast %shift_left3A_89 : i32 to vector<16xi32>
      %sub3A_91 = arith.subi %gather3A_87, %sub3A_90 : vector<16xi32>
      %and3A_92 = arith.constant 32767 : i32
      %and3A_93 = vector.broadcast %and3A_92 : i32 to vector<16xi32>
      %and3A_94 = arith.andi %sub3A_91, %and3A_93 : vector<16xi32>
      %gather3A_95 = tpu.vector_load_idx %arg11[%and3A_94] : memref<32768xi32, #tpu.memory_space<vmem>>[vector<16xi32>], vector<16xi32>,
      %and3A_96 = arith.constant 16383 : i32
      %and3A_97 = vector.broadcast %and3A_96 : i32 to vector<16xi32>
      %and3A_98 = arith.andi %gather3A_95, %and3A_97 : vector<16xi32>
      %swap3A_99 = arith.constant 16 : index
      %swap3A_100 = tpu.vector_load %arg14[%swap3A_99] {strides = array<i32>} : memref<128xi32, #tpu.memory_space<vmem>>, vector<16xi32>,
      tpu.vector_store %arg14[%swap3A_99], %get3A_86 {strides = array<i32>} : memref<128xi32, #tpu.memory_space<vmem>>, vector<16xi32>,
      %swap3A_101 = arith.constant 16 : index
      %swap3A_102 = tpu.vector_load %arg15[%swap3A_101] {strides = array<i32>} : memref<128xi32, #tpu.memory_space<vmem>>, vector<16xi32>,
      tpu.vector_store %arg15[%swap3A_101], %and3A_98 {strides = array<i32>} : memref<128xi32, #tpu.memory_space<vmem>>, vector<16xi32>,
      %add3A_103 = arith.constant 32 : i32
      %add3A_104 = arith.addi %mul3A_65, %add3A_103 : i32
      %get3A_105 = arith.index_cast %add3A_104 : i32 to index
      %get3A_106 = tpu.vector_load %arg13[%get3A_105] {strides = array<i32>} : memref<16512xi32, #tpu.memory_space<vmem>>, vector<16xi32>,
      %gather3A_107 = tpu.vector_load_idx %arg10[%get3A_106] : memref<16512xi32, #tpu.memory_space<vmem>>[vector<16xi32>], vector<16xi32>,
      %shift_left3A_108 = arith.constant 15 : i32
      %shift_left3A_109 = arith.shli %add3A, %shift_left3A_108 : i32
      %sub3A_110 = vector.broadcast %shift_left3A_109 : i32 to vector<16xi32>
      %sub3A_111 = arith.subi %gather3A_107, %sub3A_110 : vector<16xi32>
      %and3A_112 = arith.constant 32767 : i32
      %and3A_113 = vector.broadcast %and3A_112 : i32 to vector<16xi32>
      %and3A_114 = arith.andi %sub3A_111, %and3A_113 : vector<16xi32>
      %gather3A_115 = tpu.vector_load_idx %arg11[%and3A_114] : memref<32768xi32, #tpu.memory_space<vmem>>[vector<16xi32>], vector<16xi32>,
      %and3A_116 = arith.constant 16383 : i32
      %and3A_117 = vector.broadcast %and3A_116 : i32 to vector<16xi32>
      %and3A_118 = arith.andi %gather3A_115, %and3A_117 : vector<16xi32>
      %swap3A_119 = arith.constant 32 : index
      %swap3A_120 = tpu.vector_load %arg14[%swap3A_119] {strides = array<i32>} : memref<128xi32, #tpu.memory_space<vmem>>, vector<16xi32>,
      tpu.vector_store %arg14[%swap3A_119], %get3A_106 {strides = array<i32>} : memref<128xi32, #tpu.memory_space<vmem>>, vector<16xi32>,
      %swap3A_121 = arith.constant 32 : index
      %swap3A_122 = tpu.vector_load %arg15[%swap3A_121] {strides = array<i32>} : memref<128xi32, #tpu.memory_space<vmem>>, vector<16xi32>,
      tpu.vector_store %arg15[%swap3A_121], %and3A_118 {strides = array<i32>} : memref<128xi32, #tpu.memory_space<vmem>>, vector<16xi32>,
      %add3A_123 = arith.constant 48 : i32
      %add3A_124 = arith.addi %mul3A_65, %add3A_123 : i32
      %get3A_125 = arith.index_cast %add3A_124 : i32 to index
      %get3A_126 = tpu.vector_load %arg13[%get3A_125] {strides = array<i32>} : memref<16512xi32, #tpu.memory_space<vmem>>, vector<16xi32>,
      %gather3A_127 = tpu.vector_load_idx %arg10[%get3A_126] : memref<16512xi32, #tpu.memory_space<vmem>>[vector<16xi32>], vector<16xi32>,
      %shift_left3A_128 = arith.constant 15 : i32
      %shift_left3A_129 = arith.shli %add3A, %shift_left3A_128 : i32
      %sub3A_130 = vector.broadcast %shift_left3A_129 : i32 to vector<16xi32>
      %sub3A_131 = arith.subi %gather3A_127, %sub3A_130 : vector<16xi32>
      %and3A_132 = arith.constant 32767 : i32
      %and3A_133 = vector.broadcast %and3A_132 : i32 to vector<16xi32>
      %and3A_134 = arith.andi %sub3A_131, %and3A_133 : vector<16xi32>
      %gather3A_135 = tpu.vector_load_idx %arg11[%and3A_134] : memref<32768xi32, #tpu.memory_space<vmem>>[vector<16xi32>], vector<16xi32>,
      %and3A_136 = arith.constant 16383 : i32
      %and3A_137 = vector.broadcast %and3A_136 : i32 to vector<16xi32>
      %and3A_138 = arith.andi %gather3A_135, %and3A_137 : vector<16xi32>
      %swap3A_139 = arith.constant 48 : index
      %swap3A_140 = tpu.vector_load %arg14[%swap3A_139] {strides = array<i32>} : memref<128xi32, #tpu.memory_space<vmem>>, vector<16xi32>,
      tpu.vector_store %arg14[%swap3A_139], %get3A_126 {strides = array<i32>} : memref<128xi32, #tpu.memory_space<vmem>>, vector<16xi32>,
      %swap3A_141 = arith.constant 48 : index
      %swap3A_142 = tpu.vector_load %arg15[%swap3A_141] {strides = array<i32>} : memref<128xi32, #tpu.memory_space<vmem>>, vector<16xi32>,
      tpu.vector_store %arg15[%swap3A_141], %and3A_138 {strides = array<i32>} : memref<128xi32, #tpu.memory_space<vmem>>, vector<16xi32>,
      %add3A_143 = arith.constant 64 : i32
      %add3A_144 = arith.addi %mul3A_65, %add3A_143 : i32
      %get3A_145 = arith.index_cast %add3A_144 : i32 to index
      %get3A_146 = tpu.vector_load %arg13[%get3A_145] {strides = array<i32>} : memref<16512xi32, #tpu.memory_space<vmem>>, vector<16xi32>,
      %gather3A_147 = tpu.vector_load_idx %arg10[%get3A_146] : memref<16512xi32, #tpu.memory_space<vmem>>[vector<16xi32>], vector<16xi32>,
      %shift_left3A_148 = arith.constant 15 : i32
      %shift_left3A_149 = arith.shli %add3A, %shift_left3A_148 : i32
      %sub3A_150 = vector.broadcast %shift_left3A_149 : i32 to vector<16xi32>
      %sub3A_151 = arith.subi %gather3A_147, %sub3A_150 : vector<16xi32>
      %and3A_152 = arith.constant 32767 : i32
      %and3A_153 = vector.broadcast %and3A_152 : i32 to vector<16xi32>
      %and3A_154 = arith.andi %sub3A_151, %and3A_153 : vector<16xi32>
      %gather3A_155 = tpu.vector_load_idx %arg11[%and3A_154] : memref<32768xi32, #tpu.memory_space<vmem>>[vector<16xi32>], vector<16xi32>,
      %and3A_156 = arith.constant 16383 : i32
      %and3A_157 = vector.broadcast %and3A_156 : i32 to vector<16xi32>
      %and3A_158 = arith.andi %gather3A_155, %and3A_157 : vector<16xi32>
      %swap3A_159 = arith.constant 64 : index
      %swap3A_160 = tpu.vector_load %arg14[%swap3A_159] {strides = array<i32>} : memref<128xi32, #tpu.memory_space<vmem>>, vector<16xi32>,
      tpu.vector_store %arg14[%swap3A_159], %get3A_146 {strides = array<i32>} : memref<128xi32, #tpu.memory_space<vmem>>, vector<16xi32>,
      %swap3A_161 = arith.constant 64 : index
      %swap3A_162 = tpu.vector_load %arg15[%swap3A_161] {strides = array<i32>} : memref<128xi32, #tpu.memory_space<vmem>>, vector<16xi32>,
      tpu.vector_store %arg15[%swap3A_161], %and3A_158 {strides = array<i32>} : memref<128xi32, #tpu.memory_space<vmem>>, vector<16xi32>,
      %add3A_163 = arith.constant 80 : i32
      %add3A_164 = arith.addi %mul3A_65, %add3A_163 : i32
      %get3A_165 = arith.index_cast %add3A_164 : i32 to index
      %get3A_166 = tpu.vector_load %arg13[%get3A_165] {strides = array<i32>} : memref<16512xi32, #tpu.memory_space<vmem>>, vector<16xi32>,
      %gather3A_167 = tpu.vector_load_idx %arg10[%get3A_166] : memref<16512xi32, #tpu.memory_space<vmem>>[vector<16xi32>], vector<16xi32>,
      %shift_left3A_168 = arith.constant 15 : i32
      %shift_left3A_169 = arith.shli %add3A, %shift_left3A_168 : i32
      %sub3A_170 = vector.broadcast %shift_left3A_169 : i32 to vector<16xi32>
      %sub3A_171 = arith.subi %gather3A_167, %sub3A_170 : vector<16xi32>
      %and3A_172 = arith.constant 32767 : i32
      %and3A_173 = vector.broadcast %and3A_172 : i32 to vector<16xi32>
      %and3A_174 = arith.andi %sub3A_171, %and3A_173 : vector<16xi32>
      %gather3A_175 = tpu.vector_load_idx %arg11[%and3A_174] : memref<32768xi32, #tpu.memory_space<vmem>>[vector<16xi32>], vector<16xi32>,
      %and3A_176 = arith.constant 16383 : i32
      %and3A_177 = vector.broadcast %and3A_176 : i32 to vector<16xi32>
      %and3A_178 = arith.andi %gather3A_175, %and3A_177 : vector<16xi32>
      %swap3A_179 = arith.constant 80 : index
      %swap3A_180 = tpu.vector_load %arg14[%swap3A_179] {strides = array<i32>} : memref<128xi32, #tpu.memory_space<vmem>>, vector<16xi32>,
      tpu.vector_store %arg14[%swap3A_179], %get3A_166 {strides = array<i32>} : memref<128xi32, #tpu.memory_space<vmem>>, vector<16xi32>,
      %swap3A_181 = arith.constant 80 : index
      %swap3A_182 = tpu.vector_load %arg15[%swap3A_181] {strides = array<i32>} : memref<128xi32, #tpu.memory_space<vmem>>, vector<16xi32>,
      tpu.vector_store %arg15[%swap3A_181], %and3A_178 {strides = array<i32>} : memref<128xi32, #tpu.memory_space<vmem>>, vector<16xi32>,
      %add3A_183 = arith.constant 96 : i32
      %add3A_184 = arith.addi %mul3A_65, %add3A_183 : i32
      %get3A_185 = arith.index_cast %add3A_184 : i32 to index
      %get3A_186 = tpu.vector_load %arg13[%get3A_185] {strides = array<i32>} : memref<16512xi32, #tpu.memory_space<vmem>>, vector<16xi32>,
      %gather3A_187 = tpu.vector_load_idx %arg10[%get3A_186] : memref<16512xi32, #tpu.memory_space<vmem>>[vector<16xi32>], vector<16xi32>,
      %shift_left3A_188 = arith.constant 15 : i32
      %shift_left3A_189 = arith.shli %add3A, %shift_left3A_188 : i32
      %sub3A_190 = vector.broadcast %shift_left3A_189 : i32 to vector<16xi32>
      %sub3A_191 = arith.subi %gather3A_187, %sub3A_190 : vector<16xi32>
      %and3A_192 = arith.constant 32767 : i32
      %and3A_193 = vector.broadcast %and3A_192 : i32 to vector<16xi32>
      %and3A_194 = arith.andi %sub3A_191, %and3A_193 : vector<16xi32>
      %gather3A_195 = tpu.vector_load_idx %arg11[%and3A_194] : memref<32768xi32, #tpu.memory_space<vmem>>[vector<16xi32>], vector<16xi32>,
      %and3A_196 = arith.constant 16383 : i32
      %and3A_197 = vector.broadcast %and3A_196 : i32 to vector<16xi32>
      %and3A_198 = arith.andi %gather3A_195, %and3A_197 : vector<16xi32>
      %swap3A_199 = arith.constant 96 : index
      %swap3A_200 = tpu.vector_load %arg14[%swap3A_199] {strides = array<i32>} : memref<128xi32, #tpu.memory_space<vmem>>, vector<16xi32>,
      tpu.vector_store %arg14[%swap3A_199], %get3A_186 {strides = array<i32>} : memref<128xi32, #tpu.memory_space<vmem>>, vector<16xi32>,
      %swap3A_201 = arith.constant 96 : index
      %swap3A_202 = tpu.vector_load %arg15[%swap3A_201] {strides = array<i32>} : memref<128xi32, #tpu.memory_space<vmem>>, vector<16xi32>,
      tpu.vector_store %arg15[%swap3A_201], %and3A_198 {strides = array<i32>} : memref<128xi32, #tpu.memory_space<vmem>>, vector<16xi32>,
      %add3A_203 = arith.constant 112 : i32
      %add3A_204 = arith.addi %mul3A_65, %add3A_203 : i32
      %get3A_205 = arith.index_cast %add3A_204 : i32 to index
      %get3A_206 = tpu.vector_load %arg13[%get3A_205] {strides = array<i32>} : memref<16512xi32, #tpu.memory_space<vmem>>, vector<16xi32>,
      %gather3A_207 = tpu.vector_load_idx %arg10[%get3A_206] : memref<16512xi32, #tpu.memory_space<vmem>>[vector<16xi32>], vector<16xi32>,
      %shift_left3A_208 = arith.constant 15 : i32
      %shift_left3A_209 = arith.shli %add3A, %shift_left3A_208 : i32
      %sub3A_210 = vector.broadcast %shift_left3A_209 : i32 to vector<16xi32>
      %sub3A_211 = arith.subi %gather3A_207, %sub3A_210 : vector<16xi32>
      %and3A_212 = arith.constant 32767 : i32
      %and3A_213 = vector.broadcast %and3A_212 : i32 to vector<16xi32>
      %and3A_214 = arith.andi %sub3A_211, %and3A_213 : vector<16xi32>
      %gather3A_215 = tpu.vector_load_idx %arg11[%and3A_214] : memref<32768xi32, #tpu.memory_space<vmem>>[vector<16xi32>], vector<16xi32>,
      %and3A_216 = arith.constant 16383 : i32
      %and3A_217 = vector.broadcast %and3A_216 : i32 to vector<16xi32>
      %and3A_218 = arith.andi %gather3A_215, %and3A_217 : vector<16xi32>
      %swap3A_219 = arith.constant 112 : index
      %swap3A_220 = tpu.vector_load %arg14[%swap3A_219] {strides = array<i32>} : memref<128xi32, #tpu.memory_space<vmem>>, vector<16xi32>,
      tpu.vector_store %arg14[%swap3A_219], %get3A_206 {strides = array<i32>} : memref<128xi32, #tpu.memory_space<vmem>>, vector<16xi32>,
      %swap3A_221 = arith.constant 112 : index
      %swap3A_222 = tpu.vector_load %arg15[%swap3A_221] {strides = array<i32>} : memref<128xi32, #tpu.memory_space<vmem>>, vector<16xi32>,
      tpu.vector_store %arg15[%swap3A_221], %and3A_218 {strides = array<i32>} : memref<128xi32, #tpu.memory_space<vmem>>, vector<16xi32>,
      %dma_start3A_223 = arith.constant 0 : i32
      %dma_start3A_224 = arith.constant 0 : i32
      %dma_start3A_225 = tpu.memref_slice %arg3[%dma_start3A_223, %dma_start3A_224] : memref<16384x64xf32, #tpu.memory_space<hbm>> -> memref<16384x64xf32, #tpu.memory_space<hbm>>
      tpu.enqueue_indirect_dma source(%dma_start3A_225 : memref<16384x64xf32, #tpu.memory_space<hbm>>) target(%arg16 : memref<128x64xf32, #tpu.memory_space<vmem>>) offsets(%arg15 : memref<128xi32, #tpu.memory_space<vmem>>) semaphore(%arg20 : memref<!tpu.dma_semaphore, #tpu.memory_space<semaphore_mem>>)
      %dma_wait3A_226 = arith.constant 0 : i32
      %dma_wait3A_227 = arith.constant 0 : i32
      %dma_wait3A_228 = tpu.memref_slice %arg3[%dma_wait3A_226, %dma_wait3A_227] : memref<16384x64xf32, #tpu.memory_space<hbm>> -> memref<16384x64xf32, #tpu.memory_space<hbm>>
      tpu.wait_indirect_dma semaphore(%arg20 : memref<!tpu.dma_semaphore, #tpu.memory_space<semaphore_mem>>) src(%dma_wait3A_228 : memref<16384x64xf32, #tpu.memory_space<hbm>>) dst(%arg16 : memref<128x64xf32, #tpu.memory_space<vmem>>)
      %dma_start3A_229 = arith.constant 0 : i32
      %dma_start3A_230 = arith.constant 0 : i32
      %dma_start3A_231 = tpu.memref_slice %arg7[%dma_start3A_229, %dma_start3A_230] : memref<16384x64xf32, #tpu.memory_space<hbm>> -> memref<16384x64xf32, #tpu.memory_space<hbm>>
      tpu.enqueue_indirect_dma source(%arg16 : memref<128x64xf32, #tpu.memory_space<vmem>>) target(%dma_start3A_231 : memref<16384x64xf32, #tpu.memory_space<hbm>>) offsets(%arg14 : memref<128xi32, #tpu.memory_space<vmem>>) semaphore(%arg20 : memref<!tpu.dma_semaphore, #tpu.memory_space<semaphore_mem>>)
      %dma_wait3A_232 = arith.constant 0 : i32
      %dma_wait3A_233 = arith.constant 0 : i32
      %dma_wait3A_234 = tpu.memref_slice %arg7[%dma_wait3A_232, %dma_wait3A_233] : memref<16384x64xf32, #tpu.memory_space<hbm>> -> memref<16384x64xf32, #tpu.memory_space<hbm>>
      tpu.wait_indirect_dma semaphore(%arg20 : memref<!tpu.dma_semaphore, #tpu.memory_space<semaphore_mem>>) src(%arg16 : memref<128x64xf32, #tpu.memory_space<vmem>>) dst(%dma_wait3A_234 : memref<16384x64xf32, #tpu.memory_space<hbm>>)
      %while3A_235 = arith.constant 0 : i32
      scf.yield %while3A_235 : i32
    }
    %shift_left3A = arith.constant 15 : i32
    %shift_left3A_37 = arith.shli %add3A, %shift_left3A : i32
    %add3A_38 = arith.constant 32768 : i32
    %add3A_39 = arith.addi %shift_left3A_37, %add3A_38 : i32
    %min3A = arith.constant 1000000 : i32
    %min3A_40 = arith.minsi %add3A_39, %min3A : i32
    %sub3A_41 = arith.subi %min3A_40, %shift_left3A_37 : i32
    %add3A_42 = arith.constant 8192 : i32
    %add3A_43 = arith.addi %sub3A_41, %add3A_42 : i32
    %sub3A_44 = arith.constant 1 : i32
    %sub3A_45 = arith.subi %add3A_43, %sub3A_44 : i32
    %shift_right_arithmetic3A_46 = arith.constant 13 : i32
    %shift_right_arithmetic3A_47 = arith.shrsi %sub3A_45, %shift_right_arithmetic3A_46 : i32
    %max3A = arith.constant 0 : i32
    %max3A_48 = arith.maxsi %shift_right_arithmetic3A_47, %max3A : i32
    %get3A = arith.constant 0 : index
    %get3A_49 = tpu.vector_load %arg19[%get3A] {strides = array<i32>} : memref<16xf32, #tpu.memory_space<vmem>>, vector<16xf32>,
    %while3A_50 = arith.constant 0 : i32
    %while3A_51 = arith.constant 0 : i32
    %while3A_52 = arith.subi %max3A_48, %while3A_50 : i32
    %while3A_53 = arith.addi %while3A_50, %while3A_52 : i32
    %while3A_54 = arith.constant 1 : i32
    %while3A_55 = arith.divsi %while3A_52, %while3A_54 : i32
    %while3A_56 = arith.muli %while3A_55, %while3A_54 : i32
    %while3A_57 = arith.addi %while3A_50, %while3A_56 : i32
    %while3A_58 = arith.constant 1 : i32
    %while3A_59 = scf.for %while3A_62 = %while3A_50 to %while3A_57 step %while3A_58 iter_args(%while3A_63 = %while3A_51) -> (i32)  : i32 {
      %mul3A_64 = arith.constant 8192 : i32
      %mul3A_65 = arith.muli %while3A_62, %mul3A_64 : i32
      %add3A_66 = arith.addi %shift_left3A_37, %mul3A_65 : i32
      %sub3A_67 = arith.constant 8192 : i32
      %sub3A_68 = arith.subi %min3A_40, %sub3A_67 : i32
      %min3A_69 = arith.minsi %add3A_66, %sub3A_68 : i32
      %multiple_of3A = tpu.assume_multiple %min3A_69, 8 : i32
      %sub3A_70 = arith.subi %multiple_of3A, %shift_left3A_37 : i32
      %dma_start3A_71 = tpu.memref_slice %arg4[%multiple_of3A] : memref<1000000xf32, #tpu.memory_space<hbm>> -> memref<8192xf32, #tpu.memory_space<hbm>>
      %dma_start3A_72 = tpu.memref_slice %arg4[%multiple_of3A] : memref<1000000xf32, #tpu.memory_space<hbm>> -> memref<8192xf32, #tpu.memory_space<hbm>>
      tpu.enqueue_dma source(%dma_start3A_72 : memref<8192xf32, #tpu.memory_space<hbm>>) target(%arg17 : memref<8192xf32, #tpu.memory_space<vmem>>) target_semaphore(%arg20 : memref<!tpu.dma_semaphore, #tpu.memory_space<semaphore_mem>>)
      %dma_start3A_73 = tpu.memref_slice %arg5[%multiple_of3A] : memref<1000000xf32, #tpu.memory_space<hbm>> -> memref<8192xf32, #tpu.memory_space<hbm>>
      %dma_start3A_74 = tpu.memref_slice %arg5[%multiple_of3A] : memref<1000000xf32, #tpu.memory_space<hbm>> -> memref<8192xf32, #tpu.memory_space<hbm>>
      tpu.enqueue_dma source(%dma_start3A_74 : memref<8192xf32, #tpu.memory_space<hbm>>) target(%arg18 : memref<8192xf32, #tpu.memory_space<vmem>>) target_semaphore(%arg21 : memref<!tpu.dma_semaphore, #tpu.memory_space<semaphore_mem>>)
      %dma_wait3A_75 = tpu.memref_slice %arg4[%multiple_of3A] : memref<1000000xf32, #tpu.memory_space<hbm>> -> memref<8192xf32, #tpu.memory_space<hbm>>
      %dma_wait3A_76 = tpu.memref_slice %arg4[%multiple_of3A] : memref<1000000xf32, #tpu.memory_space<hbm>> -> memref<8192xf32, #tpu.memory_space<hbm>>
      tpu.wait_dma2 semaphore(%arg20 : memref<!tpu.dma_semaphore, #tpu.memory_space<semaphore_mem>>) src(%dma_wait3A_76 : memref<8192xf32, #tpu.memory_space<hbm>>) dst(%arg17 : memref<8192xf32, #tpu.memory_space<vmem>>)
      %dma_wait3A_77 = tpu.memref_slice %arg5[%multiple_of3A] : memref<1000000xf32, #tpu.memory_space<hbm>> -> memref<8192xf32, #tpu.memory_space<hbm>>
      %dma_wait3A_78 = tpu.memref_slice %arg5[%multiple_of3A] : memref<1000000xf32, #tpu.memory_space<hbm>> -> memref<8192xf32, #tpu.memory_space<hbm>>
      tpu.wait_dma2 semaphore(%arg21 : memref<!tpu.dma_semaphore, #tpu.memory_space<semaphore_mem>>) src(%dma_wait3A_78 : memref<8192xf32, #tpu.memory_space<hbm>>) dst(%arg18 : memref<8192xf32, #tpu.memory_space<vmem>>)
      %scan3A_79 = arith.constant 0 : i32
      %scan3A_80 = arith.constant 0 : i32
      %scan3A_81 = arith.constant 128 : i32
      %scan3A_82 = arith.addi %scan3A_80, %scan3A_81 : i32
      %scan3A_83 = arith.constant 1 : i32
      %scan3A_84 = scf.for %scan3A_95 = %scan3A_80 to %scan3A_82 step %scan3A_83 iter_args(%scan3A_96 = %scan3A_79) -> (i32)  : i32 {
        %mul3A_97 = arith.constant 64 : i32
        %mul3A_98 = arith.muli %scan3A_95, %mul3A_97 : i32
        %add3A_99 = arith.constant 0 : i32
        %add3A_100 = arith.addi %mul3A_98, %add3A_99 : i32
        %add3A_101 = arith.addi %sub3A_70, %add3A_100 : i32
        %get3A_102 = arith.index_cast %add3A_101 : i32 to index
        %get3A_103 = tpu.vector_load %arg12[%get3A_102] {strides = array<i32>} : memref<32768xf32, #tpu.memory_space<vmem>>, vector<16xf32>,
        %get3A_104 = arith.index_cast %add3A_100 : i32 to index
        %get3A_105 = tpu.vector_load %arg17[%get3A_104] {strides = array<i32>} : memref<8192xf32, #tpu.memory_space<vmem>>, vector<16xf32>,
        %get3A_106 = arith.index_cast %add3A_100 : i32 to index
        %get3A_107 = tpu.vector_load %arg18[%get3A_106] {strides = array<i32>} : memref<8192xf32, #tpu.memory_space<vmem>>, vector<16xf32>,
        %gt3A_108 = arith.constant 0.000000e+00 : f32
        %gt3A_109 = vector.broadcast %gt3A_108 : f32 to vector<16xf32>
        %gt3A_110 = arith.cmpf ogt, %get3A_103, %gt3A_109 : vector<16xf32>
        %select_n3A = arith.select %gt3A_110, %get3A_49, %get3A_105 : vector<16xi1>, vector<16xf32>
        %swap3A = arith.index_cast %add3A_100 : i32 to index
        %swap3A_111 = tpu.vector_load %arg17[%swap3A] {strides = array<i32>} : memref<8192xf32, #tpu.memory_space<vmem>>, vector<16xf32>,
        tpu.vector_store %arg17[%swap3A], %select_n3A {strides = array<i32>} : memref<8192xf32, #tpu.memory_space<vmem>>, vector<16xf32>,
        %add3A_112 = arith.addf %get3A_107, %get3A_103 : vector<16xf32>
        %swap3A_113 = arith.index_cast %add3A_100 : i32 to index
        %swap3A_114 = tpu.vector_load %arg18[%swap3A_113] {strides = array<i32>} : memref<8192xf32, #tpu.memory_space<vmem>>, vector<16xf32>,
        tpu.vector_store %arg18[%swap3A_113], %add3A_112 {strides = array<i32>} : memref<8192xf32, #tpu.memory_space<vmem>>, vector<16xf32>,
        %mul3A_115 = arith.constant 64 : i32
        %mul3A_116 = arith.muli %scan3A_95, %mul3A_115 : i32
        %add3A_117 = arith.constant 16 : i32
        %add3A_118 = arith.addi %mul3A_116, %add3A_117 : i32
        %add3A_119 = arith.addi %sub3A_70, %add3A_118 : i32
        %get3A_120 = arith.index_cast %add3A_119 : i32 to index
        %get3A_121 = tpu.vector_load %arg12[%get3A_120] {strides = array<i32>} : memref<32768xf32, #tpu.memory_space<vmem>>, vector<16xf32>,
        %get3A_122 = arith.index_cast %add3A_118 : i32 to index
        %get3A_123 = tpu.vector_load %arg17[%get3A_122] {strides = array<i32>} : memref<8192xf32, #tpu.memory_space<vmem>>, vector<16xf32>,
        %get3A_124 = arith.index_cast %add3A_118 : i32 to index
        %get3A_125 = tpu.vector_load %arg18[%get3A_124] {strides = array<i32>} : memref<8192xf32, #tpu.memory_space<vmem>>, vector<16xf32>,
        %gt3A_126 = arith.constant 0.000000e+00 : f32
        %gt3A_127 = vector.broadcast %gt3A_126 : f32 to vector<16xf32>
        %gt3A_128 = arith.cmpf ogt, %get3A_121, %gt3A_127 : vector<16xf32>
        %select_n3A_129 = arith.select %gt3A_128, %get3A_49, %get3A_123 : vector<16xi1>, vector<16xf32>
        %swap3A_130 = arith.index_cast %add3A_118 : i32 to index
        %swap3A_131 = tpu.vector_load %arg17[%swap3A_130] {strides = array<i32>} : memref<8192xf32, #tpu.memory_space<vmem>>, vector<16xf32>,
        tpu.vector_store %arg17[%swap3A_130], %select_n3A_129 {strides = array<i32>} : memref<8192xf32, #tpu.memory_space<vmem>>, vector<16xf32>,
        %add3A_132 = arith.addf %get3A_125, %get3A_121 : vector<16xf32>
        %swap3A_133 = arith.index_cast %add3A_118 : i32 to index
        %swap3A_134 = tpu.vector_load %arg18[%swap3A_133] {strides = array<i32>} : memref<8192xf32, #tpu.memory_space<vmem>>, vector<16xf32>,
        tpu.vector_store %arg18[%swap3A_133], %add3A_132 {strides = array<i32>} : memref<8192xf32, #tpu.memory_space<vmem>>, vector<16xf32>,
        %mul3A_135 = arith.constant 64 : i32
        %mul3A_136 = arith.muli %scan3A_95, %mul3A_135 : i32
        %add3A_137 = arith.constant 32 : i32
        %add3A_138 = arith.addi %mul3A_136, %add3A_137 : i32
        %add3A_139 = arith.addi %sub3A_70, %add3A_138 : i32
        %get3A_140 = arith.index_cast %add3A_139 : i32 to index
        %get3A_141 = tpu.vector_load %arg12[%get3A_140] {strides = array<i32>} : memref<32768xf32, #tpu.memory_space<vmem>>, vector<16xf32>,
        %get3A_142 = arith.index_cast %add3A_138 : i32 to index
        %get3A_143 = tpu.vector_load %arg17[%get3A_142] {strides = array<i32>} : memref<8192xf32, #tpu.memory_space<vmem>>, vector<16xf32>,
        %get3A_144 = arith.index_cast %add3A_138 : i32 to index
        %get3A_145 = tpu.vector_load %arg18[%get3A_144] {strides = array<i32>} : memref<8192xf32, #tpu.memory_space<vmem>>, vector<16xf32>,
        %gt3A_146 = arith.constant 0.000000e+00 : f32
        %gt3A_147 = vector.broadcast %gt3A_146 : f32 to vector<16xf32>
        %gt3A_148 = arith.cmpf ogt, %get3A_141, %gt3A_147 : vector<16xf32>
        %select_n3A_149 = arith.select %gt3A_148, %get3A_49, %get3A_143 : vector<16xi1>, vector<16xf32>
        %swap3A_150 = arith.index_cast %add3A_138 : i32 to index
        %swap3A_151 = tpu.vector_load %arg17[%swap3A_150] {strides = array<i32>} : memref<8192xf32, #tpu.memory_space<vmem>>, vector<16xf32>,
        tpu.vector_store %arg17[%swap3A_150], %select_n3A_149 {strides = array<i32>} : memref<8192xf32, #tpu.memory_space<vmem>>, vector<16xf32>,
        %add3A_152 = arith.addf %get3A_145, %get3A_141 : vector<16xf32>
        %swap3A_153 = arith.index_cast %add3A_138 : i32 to index
        %swap3A_154 = tpu.vector_load %arg18[%swap3A_153] {strides = array<i32>} : memref<8192xf32, #tpu.memory_space<vmem>>, vector<16xf32>,
        tpu.vector_store %arg18[%swap3A_153], %add3A_152 {strides = array<i32>} : memref<8192xf32, #tpu.memory_space<vmem>>, vector<16xf32>,
        %mul3A_155 = arith.constant 64 : i32
        %mul3A_156 = arith.muli %scan3A_95, %mul3A_155 : i32
        %add3A_157 = arith.constant 48 : i32
        %add3A_158 = arith.addi %mul3A_156, %add3A_157 : i32
        %add3A_159 = arith.addi %sub3A_70, %add3A_158 : i32
        %get3A_160 = arith.index_cast %add3A_159 : i32 to index
        %get3A_161 = tpu.vector_load %arg12[%get3A_160] {strides = array<i32>} : memref<32768xf32, #tpu.memory_space<vmem>>, vector<16xf32>,
        %get3A_162 = arith.index_cast %add3A_158 : i32 to index
        %get3A_163 = tpu.vector_load %arg17[%get3A_162] {strides = array<i32>} : memref<8192xf32, #tpu.memory_space<vmem>>, vector<16xf32>,
        %get3A_164 = arith.index_cast %add3A_158 : i32 to index
        %get3A_165 = tpu.vector_load %arg18[%get3A_164] {strides = array<i32>} : memref<8192xf32, #tpu.memory_space<vmem>>, vector<16xf32>,
        %gt3A_166 = arith.constant 0.000000e+00 : f32
        %gt3A_167 = vector.broadcast %gt3A_166 : f32 to vector<16xf32>
        %gt3A_168 = arith.cmpf ogt, %get3A_161, %gt3A_167 : vector<16xf32>
        %select_n3A_169 = arith.select %gt3A_168, %get3A_49, %get3A_163 : vector<16xi1>, vector<16xf32>
        %swap3A_170 = arith.index_cast %add3A_158 : i32 to index
        %swap3A_171 = tpu.vector_load %arg17[%swap3A_170] {strides = array<i32>} : memref<8192xf32, #tpu.memory_space<vmem>>, vector<16xf32>,
        tpu.vector_store %arg17[%swap3A_170], %select_n3A_169 {strides = array<i32>} : memref<8192xf32, #tpu.memory_space<vmem>>, vector<16xf32>,
        %add3A_172 = arith.addf %get3A_165, %get3A_161 : vector<16xf32>
        %swap3A_173 = arith.index_cast %add3A_158 : i32 to index
        %swap3A_174 = tpu.vector_load %arg18[%swap3A_173] {strides = array<i32>} : memref<8192xf32, #tpu.memory_space<vmem>>, vector<16xf32>,
        tpu.vector_store %arg18[%swap3A_173], %add3A_172 {strides = array<i32>} : memref<8192xf32, #tpu.memory_space<vmem>>, vector<16xf32>,
        %scan3A_175 = arith.constant 0 : i32
        scf.yield %scan3A_175 : i32
      }
      %scan3A_85 = arith.constant 128 : i32
      %dma_start3A_86 = tpu.memref_slice %arg8[%multiple_of3A] : memref<1000000xf32, #tpu.memory_space<hbm>> -> memref<8192xf32, #tpu.memory_space<hbm>>
      %dma_start3A_87 = tpu.memref_slice %arg8[%multiple_of3A] : memref<1000000xf32, #tpu.memory_space<hbm>> -> memref<8192xf32, #tpu.memory_space<hbm>>
      tpu.enqueue_dma source(%arg17 : memref<8192xf32, #tpu.memory_space<vmem>>) target(%dma_start3A_87 : memref<8192xf32, #tpu.memory_space<hbm>>) target_semaphore(%arg20 : memref<!tpu.dma_semaphore, #tpu.memory_space<semaphore_mem>>)
      %dma_start3A_88 = tpu.memref_slice %arg9[%multiple_of3A] : memref<1000000xf32, #tpu.memory_space<hbm>> -> memref<8192xf32, #tpu.memory_space<hbm>>
      %dma_start3A_89 = tpu.memref_slice %arg9[%multiple_of3A] : memref<1000000xf32, #tpu.memory_space<hbm>> -> memref<8192xf32, #tpu.memory_space<hbm>>
      tpu.enqueue_dma source(%arg18 : memref<8192xf32, #tpu.memory_space<vmem>>) target(%dma_start3A_89 : memref<8192xf32, #tpu.memory_space<hbm>>) target_semaphore(%arg21 : memref<!tpu.dma_semaphore, #tpu.memory_space<semaphore_mem>>)
      %dma_wait3A_90 = tpu.memref_slice %arg8[%multiple_of3A] : memref<1000000xf32, #tpu.memory_space<hbm>> -> memref<8192xf32, #tpu.memory_space<hbm>>
      %dma_wait3A_91 = tpu.memref_slice %arg8[%multiple_of3A] : memref<1000000xf32, #tpu.memory_space<hbm>> -> memref<8192xf32, #tpu.memory_space<hbm>>
      tpu.wait_dma2 semaphore(%arg20 : memref<!tpu.dma_semaphore, #tpu.memory_space<semaphore_mem>>) src(%arg17 : memref<8192xf32, #tpu.memory_space<vmem>>) dst(%dma_wait3A_91 : memref<8192xf32, #tpu.memory_space<hbm>>)
      %dma_wait3A_92 = tpu.memref_slice %arg9[%multiple_of3A] : memref<1000000xf32, #tpu.memory_space<hbm>> -> memref<8192xf32, #tpu.memory_space<hbm>>
      %dma_wait3A_93 = tpu.memref_slice %arg9[%multiple_of3A] : memref<1000000xf32, #tpu.memory_space<hbm>> -> memref<8192xf32, #tpu.memory_space<hbm>>
      tpu.wait_dma2 semaphore(%arg21 : memref<!tpu.dma_semaphore, #tpu.memory_space<semaphore_mem>>) src(%arg18 : memref<8192xf32, #tpu.memory_space<vmem>>) dst(%dma_wait3A_93 : memref<8192xf32, #tpu.memory_space<hbm>>)
      %while3A_94 = arith.constant 0 : i32
      scf.yield %while3A_94 : i32
    }
    %while3A_60 = arith.constant 1 : i32
    %while3A_61 = scf.for %while3A_62 = %while3A_57 to %while3A_53 step %while3A_60 iter_args(%while3A_63 = %while3A_59) -> (i32)  : i32 {
      %mul3A_64 = arith.constant 8192 : i32
      %mul3A_65 = arith.muli %while3A_62, %mul3A_64 : i32
      %add3A_66 = arith.addi %shift_left3A_37, %mul3A_65 : i32
      %sub3A_67 = arith.constant 8192 : i32
      %sub3A_68 = arith.subi %min3A_40, %sub3A_67 : i32
      %min3A_69 = arith.minsi %add3A_66, %sub3A_68 : i32
      %multiple_of3A = tpu.assume_multiple %min3A_69, 8 : i32
      %sub3A_70 = arith.subi %multiple_of3A, %shift_left3A_37 : i32
      %dma_start3A_71 = tpu.memref_slice %arg4[%multiple_of3A] : memref<1000000xf32, #tpu.memory_space<hbm>> -> memref<8192xf32, #tpu.memory_space<hbm>>
      %dma_start3A_72 = tpu.memref_slice %arg4[%multiple_of3A] : memref<1000000xf32, #tpu.memory_space<hbm>> -> memref<8192xf32, #tpu.memory_space<hbm>>
      tpu.enqueue_dma source(%dma_start3A_72 : memref<8192xf32, #tpu.memory_space<hbm>>) target(%arg17 : memref<8192xf32, #tpu.memory_space<vmem>>) target_semaphore(%arg20 : memref<!tpu.dma_semaphore, #tpu.memory_space<semaphore_mem>>)
      %dma_start3A_73 = tpu.memref_slice %arg5[%multiple_of3A] : memref<1000000xf32, #tpu.memory_space<hbm>> -> memref<8192xf32, #tpu.memory_space<hbm>>
      %dma_start3A_74 = tpu.memref_slice %arg5[%multiple_of3A] : memref<1000000xf32, #tpu.memory_space<hbm>> -> memref<8192xf32, #tpu.memory_space<hbm>>
      tpu.enqueue_dma source(%dma_start3A_74 : memref<8192xf32, #tpu.memory_space<hbm>>) target(%arg18 : memref<8192xf32, #tpu.memory_space<vmem>>) target_semaphore(%arg21 : memref<!tpu.dma_semaphore, #tpu.memory_space<semaphore_mem>>)
      %dma_wait3A_75 = tpu.memref_slice %arg4[%multiple_of3A] : memref<1000000xf32, #tpu.memory_space<hbm>> -> memref<8192xf32, #tpu.memory_space<hbm>>
      %dma_wait3A_76 = tpu.memref_slice %arg4[%multiple_of3A] : memref<1000000xf32, #tpu.memory_space<hbm>> -> memref<8192xf32, #tpu.memory_space<hbm>>
      tpu.wait_dma2 semaphore(%arg20 : memref<!tpu.dma_semaphore, #tpu.memory_space<semaphore_mem>>) src(%dma_wait3A_76 : memref<8192xf32, #tpu.memory_space<hbm>>) dst(%arg17 : memref<8192xf32, #tpu.memory_space<vmem>>)
      %dma_wait3A_77 = tpu.memref_slice %arg5[%multiple_of3A] : memref<1000000xf32, #tpu.memory_space<hbm>> -> memref<8192xf32, #tpu.memory_space<hbm>>
      %dma_wait3A_78 = tpu.memref_slice %arg5[%multiple_of3A] : memref<1000000xf32, #tpu.memory_space<hbm>> -> memref<8192xf32, #tpu.memory_space<hbm>>
      tpu.wait_dma2 semaphore(%arg21 : memref<!tpu.dma_semaphore, #tpu.memory_space<semaphore_mem>>) src(%dma_wait3A_78 : memref<8192xf32, #tpu.memory_space<hbm>>) dst(%arg18 : memref<8192xf32, #tpu.memory_space<vmem>>)
      %scan3A_79 = arith.constant 0 : i32
      %scan3A_80 = arith.constant 0 : i32
      %scan3A_81 = arith.constant 128 : i32
      %scan3A_82 = arith.addi %scan3A_80, %scan3A_81 : i32
      %scan3A_83 = arith.constant 1 : i32
      %scan3A_84 = scf.for %scan3A_95 = %scan3A_80 to %scan3A_82 step %scan3A_83 iter_args(%scan3A_96 = %scan3A_79) -> (i32)  : i32 {
        %mul3A_97 = arith.constant 64 : i32
        %mul3A_98 = arith.muli %scan3A_95, %mul3A_97 : i32
        %add3A_99 = arith.constant 0 : i32
        %add3A_100 = arith.addi %mul3A_98, %add3A_99 : i32
        %add3A_101 = arith.addi %sub3A_70, %add3A_100 : i32
        %get3A_102 = arith.index_cast %add3A_101 : i32 to index
        %get3A_103 = tpu.vector_load %arg12[%get3A_102] {strides = array<i32>} : memref<32768xf32, #tpu.memory_space<vmem>>, vector<16xf32>,
        %get3A_104 = arith.index_cast %add3A_100 : i32 to index
        %get3A_105 = tpu.vector_load %arg17[%get3A_104] {strides = array<i32>} : memref<8192xf32, #tpu.memory_space<vmem>>, vector<16xf32>,
        %get3A_106 = arith.index_cast %add3A_100 : i32 to index
        %get3A_107 = tpu.vector_load %arg18[%get3A_106] {strides = array<i32>} : memref<8192xf32, #tpu.memory_space<vmem>>, vector<16xf32>,
        %gt3A_108 = arith.constant 0.000000e+00 : f32
        %gt3A_109 = vector.broadcast %gt3A_108 : f32 to vector<16xf32>
        %gt3A_110 = arith.cmpf ogt, %get3A_103, %gt3A_109 : vector<16xf32>
        %select_n3A = arith.select %gt3A_110, %get3A_49, %get3A_105 : vector<16xi1>, vector<16xf32>
        %swap3A = arith.index_cast %add3A_100 : i32 to index
        %swap3A_111 = tpu.vector_load %arg17[%swap3A] {strides = array<i32>} : memref<8192xf32, #tpu.memory_space<vmem>>, vector<16xf32>,
        tpu.vector_store %arg17[%swap3A], %select_n3A {strides = array<i32>} : memref<8192xf32, #tpu.memory_space<vmem>>, vector<16xf32>,
        %add3A_112 = arith.addf %get3A_107, %get3A_103 : vector<16xf32>
        %swap3A_113 = arith.index_cast %add3A_100 : i32 to index
        %swap3A_114 = tpu.vector_load %arg18[%swap3A_113] {strides = array<i32>} : memref<8192xf32, #tpu.memory_space<vmem>>, vector<16xf32>,
        tpu.vector_store %arg18[%swap3A_113], %add3A_112 {strides = array<i32>} : memref<8192xf32, #tpu.memory_space<vmem>>, vector<16xf32>,
        %mul3A_115 = arith.constant 64 : i32
        %mul3A_116 = arith.muli %scan3A_95, %mul3A_115 : i32
        %add3A_117 = arith.constant 16 : i32
        %add3A_118 = arith.addi %mul3A_116, %add3A_117 : i32
        %add3A_119 = arith.addi %sub3A_70, %add3A_118 : i32
        %get3A_120 = arith.index_cast %add3A_119 : i32 to index
        %get3A_121 = tpu.vector_load %arg12[%get3A_120] {strides = array<i32>} : memref<32768xf32, #tpu.memory_space<vmem>>, vector<16xf32>,
        %get3A_122 = arith.index_cast %add3A_118 : i32 to index
        %get3A_123 = tpu.vector_load %arg17[%get3A_122] {strides = array<i32>} : memref<8192xf32, #tpu.memory_space<vmem>>, vector<16xf32>,
        %get3A_124 = arith.index_cast %add3A_118 : i32 to index
        %get3A_125 = tpu.vector_load %arg18[%get3A_124] {strides = array<i32>} : memref<8192xf32, #tpu.memory_space<vmem>>, vector<16xf32>,
        %gt3A_126 = arith.constant 0.000000e+00 : f32
        %gt3A_127 = vector.broadcast %gt3A_126 : f32 to vector<16xf32>
        %gt3A_128 = arith.cmpf ogt, %get3A_121, %gt3A_127 : vector<16xf32>
        %select_n3A_129 = arith.select %gt3A_128, %get3A_49, %get3A_123 : vector<16xi1>, vector<16xf32>
        %swap3A_130 = arith.index_cast %add3A_118 : i32 to index
        %swap3A_131 = tpu.vector_load %arg17[%swap3A_130] {strides = array<i32>} : memref<8192xf32, #tpu.memory_space<vmem>>, vector<16xf32>,
        tpu.vector_store %arg17[%swap3A_130], %select_n3A_129 {strides = array<i32>} : memref<8192xf32, #tpu.memory_space<vmem>>, vector<16xf32>,
        %add3A_132 = arith.addf %get3A_125, %get3A_121 : vector<16xf32>
        %swap3A_133 = arith.index_cast %add3A_118 : i32 to index
        %swap3A_134 = tpu.vector_load %arg18[%swap3A_133] {strides = array<i32>} : memref<8192xf32, #tpu.memory_space<vmem>>, vector<16xf32>,
        tpu.vector_store %arg18[%swap3A_133], %add3A_132 {strides = array<i32>} : memref<8192xf32, #tpu.memory_space<vmem>>, vector<16xf32>,
        %mul3A_135 = arith.constant 64 : i32
        %mul3A_136 = arith.muli %scan3A_95, %mul3A_135 : i32
        %add3A_137 = arith.constant 32 : i32
        %add3A_138 = arith.addi %mul3A_136, %add3A_137 : i32
        %add3A_139 = arith.addi %sub3A_70, %add3A_138 : i32
        %get3A_140 = arith.index_cast %add3A_139 : i32 to index
        %get3A_141 = tpu.vector_load %arg12[%get3A_140] {strides = array<i32>} : memref<32768xf32, #tpu.memory_space<vmem>>, vector<16xf32>,
        %get3A_142 = arith.index_cast %add3A_138 : i32 to index
        %get3A_143 = tpu.vector_load %arg17[%get3A_142] {strides = array<i32>} : memref<8192xf32, #tpu.memory_space<vmem>>, vector<16xf32>,
        %get3A_144 = arith.index_cast %add3A_138 : i32 to index
        %get3A_145 = tpu.vector_load %arg18[%get3A_144] {strides = array<i32>} : memref<8192xf32, #tpu.memory_space<vmem>>, vector<16xf32>,
        %gt3A_146 = arith.constant 0.000000e+00 : f32
        %gt3A_147 = vector.broadcast %gt3A_146 : f32 to vector<16xf32>
        %gt3A_148 = arith.cmpf ogt, %get3A_141, %gt3A_147 : vector<16xf32>
        %select_n3A_149 = arith.select %gt3A_148, %get3A_49, %get3A_143 : vector<16xi1>, vector<16xf32>
        %swap3A_150 = arith.index_cast %add3A_138 : i32 to index
        %swap3A_151 = tpu.vector_load %arg17[%swap3A_150] {strides = array<i32>} : memref<8192xf32, #tpu.memory_space<vmem>>, vector<16xf32>,
        tpu.vector_store %arg17[%swap3A_150], %select_n3A_149 {strides = array<i32>} : memref<8192xf32, #tpu.memory_space<vmem>>, vector<16xf32>,
        %add3A_152 = arith.addf %get3A_145, %get3A_141 : vector<16xf32>
        %swap3A_153 = arith.index_cast %add3A_138 : i32 to index
        %swap3A_154 = tpu.vector_load %arg18[%swap3A_153] {strides = array<i32>} : memref<8192xf32, #tpu.memory_space<vmem>>, vector<16xf32>,
        tpu.vector_store %arg18[%swap3A_153], %add3A_152 {strides = array<i32>} : memref<8192xf32, #tpu.memory_space<vmem>>, vector<16xf32>,
        %mul3A_155 = arith.constant 64 : i32
        %mul3A_156 = arith.muli %scan3A_95, %mul3A_155 : i32
        %add3A_157 = arith.constant 48 : i32
        %add3A_158 = arith.addi %mul3A_156, %add3A_157 : i32
        %add3A_159 = arith.addi %sub3A_70, %add3A_158 : i32
        %get3A_160 = arith.index_cast %add3A_159 : i32 to index
        %get3A_161 = tpu.vector_load %arg12[%get3A_160] {strides = array<i32>} : memref<32768xf32, #tpu.memory_space<vmem>>, vector<16xf32>,
        %get3A_162 = arith.index_cast %add3A_158 : i32 to index
        %get3A_163 = tpu.vector_load %arg17[%get3A_162] {strides = array<i32>} : memref<8192xf32, #tpu.memory_space<vmem>>, vector<16xf32>,
        %get3A_164 = arith.index_cast %add3A_158 : i32 to index
        %get3A_165 = tpu.vector_load %arg18[%get3A_164] {strides = array<i32>} : memref<8192xf32, #tpu.memory_space<vmem>>, vector<16xf32>,
        %gt3A_166 = arith.constant 0.000000e+00 : f32
        %gt3A_167 = vector.broadcast %gt3A_166 : f32 to vector<16xf32>
        %gt3A_168 = arith.cmpf ogt, %get3A_161, %gt3A_167 : vector<16xf32>
        %select_n3A_169 = arith.select %gt3A_168, %get3A_49, %get3A_163 : vector<16xi1>, vector<16xf32>
        %swap3A_170 = arith.index_cast %add3A_158 : i32 to index
        %swap3A_171 = tpu.vector_load %arg17[%swap3A_170] {strides = array<i32>} : memref<8192xf32, #tpu.memory_space<vmem>>, vector<16xf32>,
        tpu.vector_store %arg17[%swap3A_170], %select_n3A_169 {strides = array<i32>} : memref<8192xf32, #tpu.memory_space<vmem>>, vector<16xf32>,
        %add3A_172 = arith.addf %get3A_165, %get3A_161 : vector<16xf32>
        %swap3A_173 = arith.index_cast %add3A_158 : i32 to index
        %swap3A_174 = tpu.vector_load %arg18[%swap3A_173] {strides = array<i32>} : memref<8192xf32, #tpu.memory_space<vmem>>, vector<16xf32>,
        tpu.vector_store %arg18[%swap3A_173], %add3A_172 {strides = array<i32>} : memref<8192xf32, #tpu.memory_space<vmem>>, vector<16xf32>,
        %scan3A_175 = arith.constant 0 : i32
        scf.yield %scan3A_175 : i32
      }
      %scan3A_85 = arith.constant 128 : i32
      %dma_start3A_86 = tpu.memref_slice %arg8[%multiple_of3A] : memref<1000000xf32, #tpu.memory_space<hbm>> -> memref<8192xf32, #tpu.memory_space<hbm>>
      %dma_start3A_87 = tpu.memref_slice %arg8[%multiple_of3A] : memref<1000000xf32, #tpu.memory_space<hbm>> -> memref<8192xf32, #tpu.memory_space<hbm>>
      tpu.enqueue_dma source(%arg17 : memref<8192xf32, #tpu.memory_space<vmem>>) target(%dma_start3A_87 : memref<8192xf32, #tpu.memory_space<hbm>>) target_semaphore(%arg20 : memref<!tpu.dma_semaphore, #tpu.memory_space<semaphore_mem>>)
      %dma_start3A_88 = tpu.memref_slice %arg9[%multiple_of3A] : memref<1000000xf32, #tpu.memory_space<hbm>> -> memref<8192xf32, #tpu.memory_space<hbm>>
      %dma_start3A_89 = tpu.memref_slice %arg9[%multiple_of3A] : memref<1000000xf32, #tpu.memory_space<hbm>> -> memref<8192xf32, #tpu.memory_space<hbm>>
      tpu.enqueue_dma source(%arg18 : memref<8192xf32, #tpu.memory_space<vmem>>) target(%dma_start3A_89 : memref<8192xf32, #tpu.memory_space<hbm>>) target_semaphore(%arg21 : memref<!tpu.dma_semaphore, #tpu.memory_space<semaphore_mem>>)
      %dma_wait3A_90 = tpu.memref_slice %arg8[%multiple_of3A] : memref<1000000xf32, #tpu.memory_space<hbm>> -> memref<8192xf32, #tpu.memory_space<hbm>>
      %dma_wait3A_91 = tpu.memref_slice %arg8[%multiple_of3A] : memref<1000000xf32, #tpu.memory_space<hbm>> -> memref<8192xf32, #tpu.memory_space<hbm>>
      tpu.wait_dma2 semaphore(%arg20 : memref<!tpu.dma_semaphore, #tpu.memory_space<semaphore_mem>>) src(%arg17 : memref<8192xf32, #tpu.memory_space<vmem>>) dst(%dma_wait3A_91 : memref<8192xf32, #tpu.memory_space<hbm>>)
      %dma_wait3A_92 = tpu.memref_slice %arg9[%multiple_of3A] : memref<1000000xf32, #tpu.memory_space<hbm>> -> memref<8192xf32, #tpu.memory_space<hbm>>
      %dma_wait3A_93 = tpu.memref_slice %arg9[%multiple_of3A] : memref<1000000xf32, #tpu.memory_space<hbm>> -> memref<8192xf32, #tpu.memory_space<hbm>>
      tpu.wait_dma2 semaphore(%arg21 : memref<!tpu.dma_semaphore, #tpu.memory_space<semaphore_mem>>) src(%arg18 : memref<8192xf32, #tpu.memory_space<vmem>>) dst(%dma_wait3A_93 : memref<8192xf32, #tpu.memory_space<hbm>>)
      %while3A_94 = arith.constant 0 : i32
      scf.yield %while3A_94 : i32
    }
    return
  }
}

module attributes {stable_mosaic.version = 14 : i64} {
  func.func @body(%arg0: i32, %arg1: memref<4096x64xf32, #tpu.memory_space<vmem>>, %arg2: memref<8x512xf32, #tpu.memory_space<vmem>>) attributes {dimension_semantics = [#tpu.dimension_semantics<arbitrary>], iteration_bounds = array<i64: 4>, scalar_prefetch = 0 : i64, scratch_operands = 0 : i64, tpu.core_type = #tpu.core_type<tc>, window_params = [{transform_indices = @transform_0, window_bounds = array<i64: 4096, 64>}, {transform_indices = @transform_1, window_bounds = array<i64: 8, 512>}]} {
    %get3A = arith.constant 0 : index
    %get3A_0 = arith.constant 0 : index
    %get3A_1 = vector.load %arg1[%get3A, %get3A_0] : memref<4096x64xf32, #tpu.memory_space<vmem>>, vector<4096x64xf32>
    %mul3A = arith.mulf %get3A_1, %get3A_1 : vector<4096x64xf32>
    %reduce_sum3A = arith.constant dense<0.000000e+00> : vector<4096xf32>
    %reduce_sum3A_2 = vector.multi_reduction <add>, %mul3A, %reduce_sum3A [1] : vector<4096x64xf32> to vector<4096xf32>
    %sqrt3A = math.sqrt %reduce_sum3A_2 : vector<4096xf32>
    %reshape3A = vector.shape_cast %sqrt3A : vector<4096xf32> to vector<8x512xf32>
    %swap3A = arith.constant 0 : index
    %swap3A_3 = arith.constant 0 : index
    %swap3A_4 = vector.load %arg2[%swap3A, %swap3A_3] : memref<8x512xf32, #tpu.memory_space<vmem>>, vector<8x512xf32>
    tpu.vector_store %arg2[%swap3A, %swap3A_3], %reshape3A {strides = array<i32>} : memref<8x512xf32, #tpu.memory_space<vmem>>, vector<8x512xf32>,
    return
  }
  func.func @transform_0(%arg0: i32) -> (i32, i32) {
    %c0_i32 = arith.constant 0 : i32
    %c0_i32_0 = arith.constant 0 : i32
    return %arg0, %c0_i32 : i32, i32
  }
  func.func @transform_1(%arg0: i32) -> (i32, i32) {
    %c0_i32 = arith.constant 0 : i32
    %c0_i32_0 = arith.constant 0 : i32
    return %arg0, %c0_i32 : i32, i32
  }
}

</mosaic_0001>

<sc_bundles>
// kernel: kernel.4.cloned.1.call-start
scs
__scs_entry_jumppad:
0x0: {  	(pc) =	sbr.rel $0x88, $3  }
0x1: {  	(tag) =	ssettag $0x0;
	lr =	simm.s32 $0x1  }
0x2: {  	[smem:$0x3F9C] =	sst lr;
	_ =	strace $0xD0000000  }
0x3: {  	_ = 	snop  }
0x4: {  	_ = 	snop  }
0x5: {  	_ = 	snop  }
0x6: {  	_ = 	snop  }
0x7: {  	_ = 	snop  }
__scs_overlays_trampoline_lowered:
0x8: {  	[smem:$0x3FAB] =	sst s0  }
0x9: {  	[smem:$0x3FAC] =	sst s1  }
0xa: {  	[smem:$0x3FAD] =	sst s2  }
0xb: {  	[smem:$0x3FAE] =	sst s3  }
0xc: {  	[smem:$0x3FAF] =	sst s4  }
0xd: {  	[smem:$0x3FB0] =	sst s5  }
0xe: {  	[smem:$0x3FB1] =	sst s6  }
0xf: {  	[smem:$0x3FB2] =	sst s7  }
0x10: {  	[smem:$0x3FB3] =	sst s8  }
0x11: {  	[smem:$0x3FB4] =	sst s9;
	s0 =	simm.s32 @!p0 $0x0  }
0x12: {  	s1 =	sld [smem:$0x3F9A];
	s0 =	simm.s32 @p0 $0x1  }
0x13: {  	[smem:$0x3FB5] =	sst s0;
	s0 =	simm.s32 @!p1 $0x0  }
0x14: {  	s2 =	sld [smem:$0x3F99];
	s0 =	simm.s32 @p1 $0x1  }
0x15: {  	[smem:$0x3FB6] =	sst s0;
	s0 =	simm.s32 @!p2 $0x0  }
0x16: {  	s3 =	sld [smem:$0x3FDB];
	s0 =	simm.s32 @p2 $0x1  }
0x17: {  	s4 =	simm.s32 $0x1BF5;
	[smem:$0x3FB8] =	sst s0  }
0x18: {  	s0 =	sld [smem:$0x3F9B];
	_ =	swait.ge [sflag:s4], $0x0  }
0x19: {  	s7 =	sld [smem:$0x3F9C]  }
0x1a: {  	s8 =	sadd.s32 $0xFFFFE003, lr  }
0x1b: {  	s9 =	sadd.s32 $0xFFFFFEF7, lr;
	s5 =	simm.s32 $0xFFFFFFFF;
	p2 =	slt.u32 s8, $0xFFFFF086  }
0x1c: {  	p1 =	slt.u32 s9, $0xF7A;
	s5 =	simm.s32 @!p2 $0x0  }
0x1d: {  	s5 =	simm.s32 @p1 $0x1;
	p0 =	seq.s32 s7, s2  }
0x1e: {  	s7 =	smul.u32 @!p0 $0xF7A, s2;
	p2 =	seq.s32 @!p0 s5, $0x0  }
0x1f: {  	s9 =	smul.u32 $0xF7A, s1;
	s8 =	simm.s32 @!p0 $0x1BF5;
	p2 =	por !p2, p0  }
0x20: {  	[sflag:s8] =	ssyncset.s32 @!p0 $0xFFFFF086;
	s6 =	sadd.s32 @!p0 s3, s7;
	s7 =	simm.s32 @!p0 $0x108  }
0x21: {  	s3 =	sadd.s32 s3, s9;
	s6 =	sadd.s32 @!p0 $0x88, s6;
	s7 =	simm.s32 @p2 $0x1082  }
0x22: {  	[simem:s7], [sflag:s8] =	dma.local @!p0 [hbm:s6], $0xF7A  }
0x23: {  	s9 =	sor.u32 $0xD0000000, s2;
	s6 =	simm.s32 $0x108;
	_ =	swait.ge @!p0 [sflag:s8], $0x0  }
0x24: {  	s3 =	sadd.s32 $0x88, s3;
	s6 =	simm.s32 @!p1 $0x1082;
	[sflag:s4] =	ssyncset.s32 $0xFFFFF086  }
0x25: {  	[simem:s6], [sflag:s4] =	dma.local [hbm:s3], $0xF7A  }
0x26: {  	[smem:$0x3F9C] =	sst s1;
	(tag) =	ssettag s2;
	_ =	strace s9  }
0x27: {  	s1 =	sld [smem:$0x3FAC]  }
0x28: {  	s2 =	sld [smem:$0x3FAD]  }
0x29: {  	s4 =	sld [smem:$0x3FAF]  }
0x2a: {  	p0 =	seq.s32 s5, $0x0;
	s5 =	sld [smem:$0x3FB0]  }
0x2b: {  	s6 =	sld [smem:$0x3FB1]  }
0x2c: {  	s7 =	sld [smem:$0x3FB2]  }
0x2d: {  	s3 =	simm.s32 $0x108;
	s8 =	sld [smem:$0x3FB3]  }
0x2e: {  	s3 =	simm.s32 @!p0 $0x1082;
	s9 =	sld [smem:$0x3FB4]  }
0x2f: {  	lr =	sadd.s32 s0, s3;
	s0 =	sld [smem:$0x3FAB]  }
0x30: {  	s3 =	sld [smem:$0x3FAE]  }
0x31: {  	[smem:$0x3FB7] =	sst s10  }
0x32: {  	s10 =	sld [smem:$0x3FB5];
	_ =	sdelay $0x3  }
0x33: {  	p0 =	seq.s32 s10, $0x1;
	s10 =	sld [smem:$0x3FB7];
	_ =	sdelay $0x3  }
0x34: {  	[smem:$0x3FB7] =	sst s10  }
0x35: {  	s10 =	sld [smem:$0x3FB6];
	_ =	sdelay $0x3  }
0x36: {  	p1 =	seq.s32 s10, $0x1;
	s10 =	sld [smem:$0x3FB7];
	_ =	sdelay $0x3  }
0x37: {  	[smem:$0x3FB7] =	sst s10  }
0x38: {  	s10 =	sld [smem:$0x3FB8]  }
0x39: {  	_ = 	snop;
	(pc) =	sbr.ind lr, $3  }
0x3a: {  	_ = 	snop  }
0x3b: {  	_ = 	snop  }
0x3c: {  	p2 =	seq.s32 s10, $0x1;
	s10 =	sld [smem:$0x3FB7]  }
0x3d: {  	_ =	shalt  }
0x3e: {  	_ =	shalt  }
0x3f: {  	_ =	shalt  }
0x40: {  	_ =	shalt  }
0x41: {  	_ =	shalt  }
0x42: {  	_ =	shalt  }
0x43: {  	_ =	shalt  }
0x44: {  	_ =	shalt  }
0x45: {  	_ =	shalt  }
0x46: {  	_ =	shalt  }
0x47: {  	_ =	shalt  }
0x48: {  	_ =	shalt  }
0x49: {  	_ =	shalt  }
0x4a: {  	_ =	shalt  }
0x4b: {  	_ =	shalt  }
0x4c: {  	_ =	shalt  }
0x4d: {  	_ =	shalt  }
0x4e: {  	_ =	shalt  }
0x4f: {  	_ =	shalt  }
0x50: {  	_ =	shalt  }
0x51: {  	_ =	shalt  }
0x52: {  	_ =	shalt  }
0x53: {  	_ =	shalt  }
0x54: {  	_ =	shalt  }
0x55: {  	_ =	shalt  }
0x56: {  	_ =	shalt  }
0x57: {  	_ =	shalt  }
0x58: {  	_ =	shalt  }
0x59: {  	_ =	shalt  }
0x5a: {  	_ =	shalt  }
0x5b: {  	_ =	shalt  }
0x5c: {  	_ =	shalt  }
0x5d: {  	_ =	shalt  }
0x5e: {  	_ =	shalt  }
0x5f: {  	_ =	shalt  }
0x60: {  	_ =	shalt  }
0x61: {  	_ =	shalt  }
0x62: {  	_ =	shalt  }
0x63: {  	_ =	shalt  }
0x64: {  	_ =	shalt  }
0x65: {  	_ =	shalt  }
0x66: {  	_ =	shalt  }
0x67: {  	_ =	shalt  }
0x68: {  	_ =	shalt  }
0x69: {  	_ =	shalt  }
0x6a: {  	_ =	shalt  }
0x6b: {  	_ =	shalt  }
0x6c: {  	_ =	shalt  }
0x6d: {  	_ =	shalt  }
0x6e: {  	_ =	shalt  }
0x6f: {  	_ =	shalt  }
0x70: {  	_ =	shalt  }
0x71: {  	_ =	shalt  }
0x72: {  	_ =	shalt  }
0x73: {  	_ =	shalt  }
0x74: {  	_ =	shalt  }
0x75: {  	_ =	shalt  }
0x76: {  	_ =	shalt  }
0x77: {  	_ =	shalt  }
0x78: {  	_ =	shalt  }
0x79: {  	_ =	shalt  }
0x7a: {  	_ =	shalt  }
0x7b: {  	_ =	shalt  }
0x7c: {  	_ =	shalt  }
0x7d: {  	_ =	shalt  }
0x7e: {  	_ =	shalt  }
0x7f: {  	_ =	shalt  }
0x80: {  	_ =	shalt  }
0x81: {  	_ =	shalt  }
0x82: {  	_ =	shalt  }
0x83: {  	_ =	shalt  }
0x84: {  	_ =	shalt  }
0x85: {  	_ =	shalt  }
0x86: {  	_ =	shalt  }
0x87: {  	_ =	shalt  }
.Lfunc_end0:
.L_simem_size_0:
called_computation_lowered:
.L_overlay_start_0:
0x88: {  	s2 =	sld [smem:$0x3FD9]  }
0x89: {  	s3 =	sld [smem:$0x3FFE];
	_ =	sdelay $0x1  }
0x8a: {  	s1 =	srdreg.scid  }
0x8b: {  	s0 =	sand.u32 $0x1, s1  }
0x8c: {  	s14 =	sshll.u32 s0, $0xA;
	s2 =	sadd.s32 s3, s2  }
0x8d: {  	s2 =	sadd.s32 s2, s14  }
0x8e: {  	[smem:$0x3FC3] =	sst s2  }
0x8f: {  	_ = 	snop  }
0x90: {  	s2 =	sld [smem:$0x3FD0]  }
0x91: {  	s15 =	sld [smem:$0x3FC8]  }
0x92: {  	s4 =	sld [smem:$0x3FC7]  }
0x93: {  	s6 =	simm.s32 $0xA;
	s7 =	simm.s32 $0x10;
	s5 =	sld [smem:$0x3FC6]  }
0x94: {  	[smem:s7], [sflag:s6] =	dma.local [hbm:s2], $0x1  }
0x95: {  	_ =	swait.eq [sflag:s6], $0x1  }
0x96: {  	s16 =	sld [smem:$0x10]  }
0x97: {  	s17 =	sld [smem:$0x11];
	[sflag:s6] =	ssyncset.done $0x0  }
0x98: {  	s8 =	sld [smem:$0x12];
	[sflag:s6] =	ssyncadd.s32 $0xFFFFFFFF  }
0x99: {  	s18 =	sld [smem:$0x13];
	(tm) =	ssettm $0x1  }
0x9a: {  	s9 =	sld [smem:$0x3FFB];
	_ =	sdelay $0x3  }
0x9b: {  	_ =	strace s9  }
0x9c: {  	s9 =	sld [smem:$0x3FFC];
	_ =	sdelay $0x3  }
0x9d: {  	_ =	strace s9  }
0x9e: {  	s9 =	sld [smem:$0x3FFD];
	_ =	sdelay $0x3  }
0x9f: {  	_ =	strace s9  }
0xa0: {  	_ =	strace $0x8FFFFFFF  }
0xa1: {  	s19 =	sld [smem:$0x3FDB];
	_ =	sdelay $0x1  }
0xa2: {  	s10 =	simm.s32 $_scs_section_size  }
0xa3: {  	s11 =	simm.s32 $_size__tile_overlayer_lowered;
	s12 =	simm.s32 $_tile_overlayer_lowered  }
0xa4: {  	s22 =	simm.s32 $0x1BFF;
	s21 =	sshll.u32 s12, $0x1;
	s9 =	sadd.s32 s10, s19  }
0xa5: {  	s13 =	simm.s32 $0x0;
	s20 =	sshll.u32 s11, $0x1;
	s11 =	sadd.s32 s21, s9  }
0xa6: {  	[timem:s13], [sflag:s22] =	dma.local [hbm:s11], s20  }
0xa7: {  	_ =	swait.ge [sflag:s22], s20  }
0xa8: {  	s10 =	ssub.s32 $0x0, s20;
	[sflag:s22] =	ssyncset.done $0x0  }
0xa9: {  	[sflag:s22] =	ssyncadd.s32 s10;
	_ =	sdelay $0x1  }
0xaa: {  	s23 =	simm.s32 $0x1B8B  }
0xab: {  	_ =	swait.ge [sflag:s23], $0x1  }
0xac: {  	[sflag:s23] =	ssyncset.done $0x0  }
0xad: {  	s25 =	simm.s32 $0x1B8E;
	s24 =	sld [smem:$0x3FFE];
	[sflag:s23] =	ssyncadd.s32 $0xFFFFFFFF  }
0xae: {  	s26 =	simm.s32 $execute0_lowered;
	[smem:$0x3FD2] =	sst s25  }
0xaf: {  	s11 =	sshll.u32 s26, $0x1;
	_ =	strace $0x80000046;
	[dreg:$0x1] =	wrdreg $0xFFFFFFFF  }
0xb0: {  	s28 =	simm.s32 $_size_execute0_lowered;
	s9 =	sadd.s32 s9, s11;
	[dreg:$0x0] =	wrdreg $0x0  }
0xb1: {  	s11 =	sshll.u32 s28, $0x1;
	[dreg:$0x2] =	wrdreg s9  }
0xb2: {  	[dreg:$0x3] =	wrdreg s11  }
0xb3: {  	[dreg:$0x4] =	wrdreg $0xC0  }
0xb4: {  	_ =	task [dreg:s13], $0x5FFFF  }
0xb5: {  	[dreg:$0x1] =	wrdreg $0xFFFFFFFF  }
0xb6: {  	[dreg:$0x0] =	wrdreg $0x60  }
0xb7: {  	[dreg:$0x2] =	wrdreg s5  }
0xb8: {  	[dreg:$0x3] =	wrdreg s16  }
0xb9: {  	[dreg:$0x4] =	wrdreg s15  }
0xba: {  	[dreg:$0x5] =	wrdreg s4  }
0xbb: {  	[dreg:$0x6] =	wrdreg s17  }
0xbc: {  	[dreg:$0x7] =	wrdreg s24  }
0xbd: {  	[dreg:$0x8] =	wrdreg s8  }
0xbe: {  	[dreg:$0x9] =	wrdreg s18  }
0xbf: {  	[dreg:$0xa] =	wrdreg $0x9  }
0xc0: {  	_ =	task.clear_ibuf [dreg:s13], $0xBFFFF;
	_ =	strace $0x90000046  }
0xc1: {  	s29 =	simm.s32 $0x9;
	_ =	strace $0x80000048  }
0xc2: {  	_ =	swait.ge [sflag:s29], $0x1  }
0xc3: {  	[sflag:s29] =	ssyncadd.s32 $0xFFFFFFFF  }
0xc4: {  	_ =	strace $0x90000048  }
0xc5: {  	_ =	sfence  }
0xc6: {  	s30 =	sld [smem:$0x0];
	_ =	sdelay $0x2  }
0xc7: {  	s31 =	sshll.u32 s1, $0xD;
	s1 =	sshrl.u32 s1, $0x2  }
0xc8: {  	s3 =	sand.u32 $0x4000, s31;
	s1 =	sadd.s32 s1, s30  }
0xc9: {  	s0 =	sor.u32 s3, s0;
	s1 =	sshll.u32 s1, $0x11  }
0xca: {  	s0 =	sor.u32 s1, s0  }
0xcb: {  	s0 =	sadd.s32 $0x8F2B, s0  }
0xcc: {  	[sflag:s0] =	ssyncadd.remote.s32 $0x1  }
0xcd: {  	_ =	sfence.sel $0xFFFF  }
0xce: {  	[dreg:$0x0] =	wrdreg $0xFFFFFFFF;
	(pc) =	sbr.abs _section_cstart, $3  }
0xcf: {  	[dreg:$0x1] =	wrdreg $0xFFFFFFFF  }
0xd0: {  	_ =	task.clear_ibuf [dreg:s13], $0x2FFFF;
	_ =	strace $0x9FFFFFFF  }
0xd1: {  	(tm) =	ssettm $0x7FFFFFFF  }
tec
execute0_lowered:
.L_overlay_start_1:
0x0: {  	(tag) =	ssettag $0x1  }
0x1: {  	s1 =	rddreg [dreg:$0x1]  }
0x2: {  	s3 =	rddreg [dreg:$0x2]  }
0x3: {  	s4 =	rddreg [dreg:$0x3]  }
0x4: {  	s0 =	rddreg [dreg:$0x5]  }
0x5: {  	s7 =	rddreg [dreg:$0x6]  }
0x6: {  	s8 =	rddreg [dreg:$0x7]  }
0x7: {  	s2 =	srdreg.scid;
	s14 =	stileid.u32  }
0x8: {  	s9 =	simm.s32 $0x0;
	s19 =	simm.s32 $0x3;
	s20 =	simm.s32 $0x1  }
0x9: {  	s21 =	simm.s32 $0x4080;
	s22 =	simm.s32 $0xC080;
	s23 =	simm.s32 $0x80  }
0xa: {  	s28 =	simm.s32 $0x1A200;
	s29 =	simm.s32 $0x1C200;
	s30 =	simm.s32 $0x2  }
0xb: {  	s31 =	simm.s32 $0x0;
	s2 =	sand.u32 $0x1, s2;
	s5 =	sshll.u32 s14, $0x1  }
0xc: {  	v0 =	vimm.s32 $0xFFEDCBA9;
	v1 =	vimm.s32 $0x87654321;
	[smem:$0x7FF] =	sst s9;
	s11 =	sadd.s32 $0x800, s0;
	s14 =	sshll.u32 s14, $0x10  }
0xd: {  	v2 =	vimm.s32 $0xEDCBA987;
	v3 =	vimm.s32 $0x65432100;
	v0 =	vunpack.c.l.s4.s8 v0;
	s5 =	sor.u32 s2, s5;
	_ =	strace $0x80000047;
	s6 =	ssub.s32 $0x2, s2  }
0xe: {  	vm0 =	vcmask $0x3F3C;
	v1 =	vunpack.c.l.s4.s8 v1;
	v2 =	vunpack.c.l.s4.s8 v2;
	s2 =	sshll.u32 s2, $0xF;
	s10 =	sshll.u32 s5, $0xF;
	s12 =	sshrl.u32 s6, $0x1  }
0xf: {  	vm1 =	vcmask $0x300;
	v3 =	vunpack.c.l.s4.s8 v3;
	s2 =	sor.u32 s2, s14;
	v4 =	vunpack.c.0.s8.s32 v0;
	s13 =	smin.u32 s10, $0xEC240;
	s24 =	ssub.s32 s6, s12  }
.Ltmp0:
0x10: {  	v1 =	vunpack.c.0.s8.s32 v1;
	v5 =	vunpack.c.0.s8.s32 v2;
	v0 =	vmov s5;
	s16 =	ssub.s32 $0x0, s2;
	[dreg:$0x9] =	wrdreg s2;
	(pc) =	sbr.rel .LBB2_1-.Ltmp0, $4  }
0x11: {  	v6 =	vunpack.c.0.s8.s32 v3;
	v2 =	vimm.s32 $0x0;
	v3 =	vlaneseq.u32;
	s26 =	smin.u32 s2, $0xEC240;
	s25 =	ssub.s32 s13, s10;
	s13 =	sadd.s32 $0x6000, s13  }
0x12: {  	v7 =	vor.u32 $0x80000000, v3;
	s0 =	smax.u32 s24, $0x1;
	s17 =	sadd.s32 $0x6000, s26;
	v4 =	vcombine.low v1, v4;
	v5 =	vand.u32 $0xF, v5;
	s6 =	sadd.s32 $0x9FC0, s25  }
0x13: {  	v8 =	vadd.s32 $0x1, v3;
	s24 =	simm.s32 $0x18180;
	s26 =	simm.s32 $0x18100;
	v5 =	vcombine.low v6, v5;
	v6 =	vimm.s32 $0x7FFFFFFF;
	s12 =	sshra.s32 s6, $0xD  }
0x14: {  	v1 =	vimm.f32 $0.0e+00;
	[dreg:$0xa] =	wrdreg s0;
	s25 =	simm.s32 $0x18200;
	v4 =	vand.u32 $0xF, v4;
	v6 =	vsel vm1, $0x80000000, v6;
	p0 =	slt.s32 s12, $0x1  }
.LBB2_12:
0x15: {  	s31 =	sadd.s32 $0x1, s31;
	s0 =	rddreg [dreg:$0xa]  }
0x16: {  	p1 =	sne.s32 s31, s0  }
.Ltmp1:
0x17: {  	_ = 	snop;
	(pc) =	sbr.rel @!p1 .LBB2_13-.Ltmp1, $1  }
0x18: {  	_ =	sdelay $0x3  }
.LBB2_1:
0x19: {  	s0 =	rddreg [dreg:$0x0]  }
0x1a: {  	[tilespmem:s9], [sflag:$0x1] =	stream.linear.gather [hbm4b:s0+s9], $0x4000, $0x38;
	[tilespmem:$0x1E210] =	vst v63  }
0x1b: {  	s18 =	rddreg [dreg:$0x4];
	s2 =	simm.s32 $0x1E200  }
0x1c: {  	[tilespmem:s2], [sflag:$0x3] =	stream.linear.gather [hbm4b:s18+s9], $0x10, $0x38;
	[tilespmem:$0x1E210] =	vst v63  }
0x1d: {  	_ =	swait.ge [sflag:s19], $0x10  }
0x1e: {  	[sflag:s19] =	ssyncset.done $0x0  }
0x1f: {  	s0 =	simm.s32 $0x0;
	s2 =	simm.s32 $0x200;
	[sflag:s19] =	ssyncadd.s32 $0xFFFFFFF0  }
.LBB2_2:
0x20: {  	p1 =	sne.s32 s2, $0x1FE00;
	[tilespmem:s0+$0xC0F0] =	vst v1  }
0x21: {  	[tilespmem:s0+$0xC080] =	vst v1  }
0x22: {  	[tilespmem:s0+$0xC090] =	vst v1  }
.Ltmp2:
0x23: {  	[tilespmem:s0+$0xC0A0] =	vst v1;
	(pc) =	sbr.rel @p1 .LBB2_2-.Ltmp2, $4  }
0x24: {  	[tilespmem:s0+$0xC0B0] =	vst v1  }
0x25: {  	[tilespmem:s0+$0xC0C0] =	vst v1  }
0x26: {  	[tilespmem:s0+$0xC0D0] =	vst v1  }
0x27: {  	[tilespmem:s0+$0xC0E0] =	vst v1;
	s0 =	sshra.s32 s2, $0x2;
	s2 =	sadd.s32 $0x200, s2  }
0x28: {  	[tilespmem:s0+$0xC0F0] =	vst v1  }
0x29: {  	[tilespmem:s0+$0xC080] =	vst v1  }
0x2a: {  	[tilespmem:s0+$0xC090] =	vst v1  }
0x2b: {  	[tilespmem:s0+$0xC0A0] =	vst v1  }
0x2c: {  	[tilespmem:s0+$0xC0B0] =	vst v1  }
0x2d: {  	[tilespmem:s0+$0xC0C0] =	vst v1  }
0x2e: {  	[tilespmem:s0+$0xC0D0] =	vst v1  }
0x2f: {  	[tilespmem:s0+$0xC0E0] =	vst v1  }
0x30: {  	_ =	swait.ge [sflag:s20], $0x4000  }
0x31: {  	[sflag:s20] =	ssyncset.done $0x0  }
0x32: {  	s2 =	simm.s32 $0x20;
	[sflag:s20] =	ssyncadd.s32 $0xFFFFC000  }
0x33: {  	v9 =	vld [tilespmem:s2+$0xFFFFFFE0];
	_ =	sdelay $0x4  }
0x34: {  	v10 =	vshra.s32 v9, $0xF;
	v9 =	vshll.u32 v9, $0x4  }
0x35: {  	vm1 =	veq.s32 v10, v0;
	v9 =	vor.u32 v3, v9  }
0x36: {  	v9 =	vnsel vm1, $0x7FFFFFFF, v9  }
0x37: {  	(xrf1) =	vsort.ascd.msk.u32 $0xffff, v9, v9;
	_ =	sdelay $0xd  }
0x38: {  	v9, _, _ =	vpop (xrf1)  }
0x39: {  	v10 =	vshra.s32 v9, $0x4  }
0x3a: {  	v11 =	vperm.xlane v10, v5;
	_ =	sdelay $0x1  }
0x3b: {  	v12 =	vsel vm1, $0x1, v2;
	vm2 =	veq.s32 v10, v11  }
0x3c: {  	(xrf0) =	vadd.scan.msk.s32 $0xffff, v12;
	v11 =	vsel vm2, v6, v7  }
0x3d: {  	v51 =	vperm.xlane v10, v4;
	(xrf0) =	vmax.scan.msk.u32 $0xffff, v11;
	_ =	sdelay $0x1  }
0x3e: {  	vm2 =	vne.s32 v10, v51  }
0x3f: {  	vm3 =	vne.s32 v9, $0x7FFFFFFF;
	vm2 =	vmor vm2, vm0  }
0x40: {  	vm2 =	vmand vm3, vm2  }
0x41: {  	v10 =	vand.u32 $0x7FFF, v10;
	v11, _, _ =	vpop (xrf0)  }
0x42: {  	v52, _, _ =	vpop (xrf0)  }
0x43: {  	s14 =	simm.s32 $0x0;
	v12 =	vxor.u32 $0x80000000, v52  }
0x44: {  	v13 =	vor.u32 s14, v3;
	v9 =	vand.u32 $0xF, v9;
	v12 =	vsub.s32 v8, v12  }
0x45: {  	[tilespmem:s14+$0x14080] =	vst.msk vm1, v13;
	v9 =	vor.u32 s14, v9;
	v12 =	vcvt.s32.f32 v12  }
0x46: {  	[tilespmem:v10+s21+$0x0] =	vst.idx.msk vm2, v9  }
0x47: {  	[tilespmem:v10+s22+$0x0] =	vst.idx.add.f32.msk vm2, v12  }
0x48: {  	v9 =	vld [tilespmem:s2+$0xFFFFFFF0];
	_ =	sdelay $0x4  }
0x49: {  	v10 =	vshra.s32 v9, $0xF;
	v9 =	vshll.u32 v9, $0x4  }
0x4a: {  	vm1 =	veq.s32 v10, v0;
	v9 =	vor.u32 v3, v9  }
0x4b: {  	v9 =	vnsel vm1, $0x7FFFFFFF, v9  }
0x4c: {  	(xrf1) =	vsort.ascd.msk.u32 $0xffff, v9, v9;
	_ =	sdelay $0xb  }
0x4d: {  	(v2sf) =	vpush v11, $0xF;
	_ =	sdelay $0x1  }
0x4e: {  	v9, _, _ =	vpop (xrf1)  }
0x4f: {  	v10 =	vshra.s32 v9, $0x4  }
0x50: {  	v11 =	vperm.xlane v10, v5;
	_ =	sdelay $0x1  }
0x51: {  	v53 =	vsel vm1, $0x1, v2;
	vm2 =	veq.s32 v10, v11  }
0x52: {  	(xrf0) =	vadd.scan.msk.s32 $0xffff, v53;
	v11 =	vsel vm2, v6, v7  }
0x53: {  	v54 =	vperm.xlane v10, v4;
	(xrf0) =	vmax.scan.msk.u32 $0xffff, v11;
	_ =	sdelay $0x1  }
0x54: {  	vm2 =	vne.s32 v10, v54  }
0x55: {  	vm3 =	vne.s32 v9, $0x7FFFFFFF;
	vm2 =	vmor vm2, vm0  }
0x56: {  	vm2 =	vmand vm3, vm2  }
0x57: {  	v10 =	vand.u32 $0x7FFF, v10;
	v11, _, _ =	vpop (xrf0)  }
0x58: {  	v55, _, _ =	vpop (xrf0)  }
0x59: {  	s5 =	simm.s32 $0x10;
	s15 =	spop (v2sf);
	v12 =	vxor.u32 $0x80000000, v55  }
0x5a: {  	v56 =	vor.u32 s5, v3;
	s0 =	sadd.s32 $0x0, s15;
	v9 =	vand.u32 $0xF, v9;
	v12 =	vsub.s32 v8, v12  }
0x5b: {  	[tilespmem:s0+$0x14080] =	vst.msk vm1, v56;
	v9 =	vor.u32 s5, v9;
	v12 =	vcvt.s32.f32 v12  }
0x5c: {  	[tilespmem:v10+s21+$0x0] =	vst.idx.msk vm2, v9  }
0x5d: {  	[tilespmem:v10+s22+$0x0] =	vst.idx.add.f32.msk vm2, v12  }
0x5e: {  	v9 =	vld [tilespmem:s2+$0x0];
	_ =	sdelay $0x4  }
0x5f: {  	v10 =	vshra.s32 v9, $0xF;
	v9 =	vshll.u32 v9, $0x4  }
0x60: {  	vm1 =	veq.s32 v10, v0;
	v9 =	vor.u32 v3, v9  }
0x61: {  	v9 =	vnsel vm1, $0x7FFFFFFF, v9  }
0x62: {  	(xrf1) =	vsort.ascd.msk.u32 $0xffff, v9, v9;
	_ =	sdelay $0xb  }
0x63: {  	(v2sf) =	vpush v11, $0xF;
	_ =	sdelay $0x1  }
0x64: {  	v9, _, _ =	vpop (xrf1)  }
0x65: {  	v10 =	vshra.s32 v9, $0x4  }
0x66: {  	v11 =	vperm.xlane v10, v5;
	_ =	sdelay $0x1  }
0x67: {  	v57 =	vsel vm1, $0x1, v2;
	vm2 =	veq.s32 v10, v11  }
0x68: {  	(xrf0) =	vadd.scan.msk.s32 $0xffff, v57;
	v11 =	vsel vm2, v6, v7  }
0x69: {  	v58 =	vperm.xlane v10, v4;
	(xrf0) =	vmax.scan.msk.u32 $0xffff, v11;
	_ =	sdelay $0x1  }
0x6a: {  	vm2 =	vne.s32 v10, v58  }
0x6b: {  	vm3 =	vne.s32 v9, $0x7FFFFFFF;
	vm2 =	vmor vm2, vm0  }
0x6c: {  	vm2 =	vmand vm3, vm2  }
0x6d: {  	v10 =	vand.u32 $0x7FFF, v10;
	v11, _, _ =	vpop (xrf0)  }
0x6e: {  	v59, _, _ =	vpop (xrf0)  }
0x6f: {  	s6 =	simm.s32 $0x20;
	s18 =	spop (v2sf);
	v12 =	vxor.u32 $0x80000000, v59  }
0x70: {  	v60 =	vor.u32 s6, v3;
	s0 =	sadd.s32 s0, s18;
	v9 =	vand.u32 $0xF, v9;
	v12 =	vsub.s32 v8, v12  }
0x71: {  	[tilespmem:s0+$0x14080] =	vst.msk vm1, v60;
	v9 =	vor.u32 s6, v9;
	v12 =	vcvt.s32.f32 v12  }
0x72: {  	[tilespmem:v10+s21+$0x0] =	vst.idx.msk vm2, v9  }
0x73: {  	[tilespmem:v10+s22+$0x0] =	vst.idx.add.f32.msk vm2, v12  }
0x74: {  	v9 =	vld [tilespmem:s2+$0x10];
	_ =	sdelay $0x4  }
0x75: {  	v10 =	vshra.s32 v9, $0xF;
	v9 =	vshll.u32 v9, $0x4  }
0x76: {  	vm2 =	veq.s32 v10, v0;
	v9 =	vor.u32 v3, v9  }
0x77: {  	v9 =	vnsel vm2, $0x7FFFFFFF, v9  }
0x78: {  	(xrf1) =	vsort.ascd.msk.u32 $0xffff, v9, v9;
	_ =	sdelay $0x4  }
0x79: {  	v9 =	vsel vm2, $0x1, v2  }
0x7a: {  	(xrf0) =	vadd.scan.msk.s32 $0xffff, v9;
	_ =	sdelay $0x4  }
0x7b: {  	(v2sf) =	vpush v11, $0xF  }
0x7c: {  	v9, _, _ =	vpop (xrf0)  }
0x7d: {  	(v2sf) =	vpush v9, $0xF  }
0x7e: {  	v10, _, _ =	vpop (xrf1)  }
0x7f: {  	v9 =	vshra.s32 v10, $0x4  }
0x80: {  	v11 =	vperm.xlane v9, v5;
	_ =	sdelay $0x1  }
0x81: {  	vm1 =	veq.s32 v9, v11  }
0x82: {  	v11 =	vperm.xlane v9, v4;
	v61 =	vsel vm1, v6, v7  }
0x83: {  	(xrf0) =	vmax.scan.msk.u32 $0xffff, v61  }
0x84: {  	vm1 =	vne.s32 v9, v11  }
0x85: {  	vm3 =	vne.s32 v10, $0x7FFFFFFF;
	vm1 =	vmor vm1, vm0  }
0x86: {  	vm1 =	vmand vm3, vm1  }
0x87: {  	v9 =	vand.u32 $0x7FFF, v9;
	_ =	sdelay $0x1  }
0x88: {  	s15 =	simm.s32 $0x30;
	s14 =	spop (v2sf);
	v11, _, _ =	vpop (xrf0)  }
0x89: {  	v62 =	vor.u32 s15, v3;
	s0 =	sadd.s32 s0, s14;
	v10 =	vand.u32 $0xF, v10;
	v11 =	vxor.u32 $0x80000000, v11  }
0x8a: {  	[tilespmem:s0+$0x14080] =	vst.msk vm2, v62;
	v63 =	vor.u32 s15, v10;
	s18 =	spop (v2sf);
	v11 =	vsub.s32 v8, v11  }
0x8b: {  	s6 =	simm.s32 $0x40;
	s5 =	sadd.s32 s0, s18;
	[tilespmem:v9+s21+$0x0] =	vst.idx.msk vm1, v63;
	v10 =	vcvt.s32.f32 v11  }
.LBB2_4:
0x8c: {  	p1 =	sne.s32 s6, $0x3FC0  }
0x8d: {  	[tilespmem:v9+s22+$0x0] =	vst.idx.add.f32.msk vm1, v10;
	s2 =	sadd.s32 $0x40, s2;
	s0 =	smov.u32 s6;
	s6 =	sadd.s32 $0x40, s6  }
0x8e: {  	v9 =	vld [tilespmem:s2+$0xFFFFFFE0];
	_ =	sdelay $0x4  }
0x8f: {  	v10 =	vshra.s32 v9, $0xF;
	v9 =	vshll.u32 v9, $0x4  }
0x90: {  	vm1 =	veq.s32 v10, v0;
	v9 =	vor.u32 v3, v9  }
0x91: {  	v10 =	vsel vm1, $0x1, v2;
	v9 =	vnsel vm1, $0x7FFFFFFF, v9  }
0x92: {  	(xrf1) =	vsort.ascd.msk.u32 $0xffff, v9, v9  }
0x93: {  	(xrf0) =	vadd.scan.msk.s32 $0xffff, v10;
	_ =	sdelay $0x5  }
0x94: {  	v9, _, _ =	vpop (xrf0)  }
0x95: {  	(v2sf) =	vpush v9, $0xF;
	_ =	sdelay $0x5  }
0x96: {  	v9, _, _ =	vpop (xrf1)  }
0x97: {  	v10 =	vshra.s32 v9, $0x4;
	v11 =	vand.u32 $0xF, v9  }
0x98: {  	v12 =	vperm.xlane v10, v4;
	v13 =	vperm.xlane v10, v5;
	_ =	sdelay $0x1  }
0x99: {  	vm2 =	vne.s32 v10, v12;
	vm3 =	veq.s32 v10, v13  }
0x9a: {  	vm2 =	vmor vm2, vm0;
	v12 =	vsel vm3, v6, v7  }
0x9b: {  	(xrf0) =	vmax.scan.msk.u32 $0xffff, v12;
	_ =	sdelay $0x2  }
0x9c: {  	vm3 =	vne.s32 v9, $0x7FFFFFFF;
	s18 =	spop (v2sf)  }
0x9d: {  	vm2 =	vmand vm3, vm2  }
0x9e: {  	v9 =	vand.u32 $0x7FFF, v10  }
0x9f: {  	v10, _, _ =	vpop (xrf0)  }
0xa0: {  	v10 =	vxor.u32 $0x80000000, v10  }
0xa1: {  	v12 =	vor.u32 s0, v3;
	v10 =	vsub.s32 v8, v10  }
0xa2: {  	v11 =	vor.u32 s0, v11;
	[tilespmem:s5+$0x14080] =	vst.msk vm1, v12;
	v10 =	vcvt.s32.f32 v10  }
0xa3: {  	[tilespmem:v9+s21+$0x0] =	vst.idx.msk vm2, v11  }
0xa4: {  	[tilespmem:v9+s22+$0x0] =	vst.idx.add.f32.msk vm2, v10  }
0xa5: {  	v9 =	vld [tilespmem:s2+$0xFFFFFFF0];
	_ =	sdelay $0x4  }
0xa6: {  	v10 =	vshra.s32 v9, $0xF;
	v9 =	vshll.u32 v9, $0x4  }
0xa7: {  	vm1 =	veq.s32 v10, v0;
	v9 =	vor.u32 v3, v9  }
0xa8: {  	v10 =	vsel vm1, $0x1, v2;
	v9 =	vnsel vm1, $0x7FFFFFFF, v9  }
0xa9: {  	(xrf1) =	vsort.ascd.msk.u32 $0xffff, v9, v9  }
0xaa: {  	(xrf0) =	vadd.scan.msk.s32 $0xffff, v10;
	_ =	sdelay $0x5  }
0xab: {  	v9, _, _ =	vpop (xrf0)  }
0xac: {  	(v2sf) =	vpush v9, $0xF;
	_ =	sdelay $0x5  }
0xad: {  	v9, _, _ =	vpop (xrf1)  }
0xae: {  	v10 =	vshra.s32 v9, $0x4;
	v11 =	vand.u32 $0xF, v9  }
0xaf: {  	v12 =	vperm.xlane v10, v4;
	v13 =	vperm.xlane v10, v5;
	_ =	sdelay $0x1  }
0xb0: {  	vm2 =	vne.s32 v10, v12;
	vm3 =	veq.s32 v10, v13  }
0xb1: {  	vm2 =	vmor vm2, vm0;
	v12 =	vsel vm3, v6, v7  }
0xb2: {  	(xrf0) =	vmax.scan.msk.u32 $0xffff, v12;
	_ =	sdelay $0x2  }
0xb3: {  	vm3 =	vne.s32 v9, $0x7FFFFFFF;
	s14 =	spop (v2sf)  }
0xb4: {  	vm2 =	vmand vm3, vm2  }
0xb5: {  	v9 =	vand.u32 $0x7FFF, v10  }
0xb6: {  	v10, _, _ =	vpop (xrf0)  }
0xb7: {  	s15 =	sadd.s32 $0x10, s0;
	v10 =	vxor.u32 $0x80000000, v10  }
0xb8: {  	s5 =	sadd.s32 s5, s18;
	v12 =	vor.u32 s15, v3;
	v10 =	vsub.s32 v8, v10  }
0xb9: {  	v11 =	vor.u32 s15, v11;
	[tilespmem:s5+$0x14080] =	vst.msk vm1, v12;
	v10 =	vcvt.s32.f32 v10  }
0xba: {  	[tilespmem:v9+s21+$0x0] =	vst.idx.msk vm2, v11  }
0xbb: {  	[tilespmem:v9+s22+$0x0] =	vst.idx.add.f32.msk vm2, v10  }
0xbc: {  	v9 =	vld [tilespmem:s2+$0x0];
	_ =	sdelay $0x4  }
0xbd: {  	s15 =	sadd.s32 $0x20, s0;
	v10 =	vshra.s32 v9, $0xF;
	v9 =	vshll.u32 v9, $0x4  }
0xbe: {  	s5 =	sadd.s32 s5, s14;
	vm1 =	veq.s32 v10, v0;
	v10 =	vor.u32 s15, v3;
	v9 =	vor.u32 v3, v9  }
0xbf: {  	v11 =	vsel vm1, $0x1, v2;
	[tilespmem:s5+$0x14080] =	vst.msk vm1, v10;
	v9 =	vnsel vm1, $0x7FFFFFFF, v9  }
0xc0: {  	(xrf1) =	vsort.ascd.msk.u32 $0xffff, v9, v9  }
0xc1: {  	(xrf0) =	vadd.scan.msk.s32 $0xffff, v11;
	_ =	sdelay $0x5  }
0xc2: {  	v9, _, _ =	vpop (xrf0);
	_ =	sdelay $0x6  }
0xc3: {  	v10, _, _ =	vpop (xrf1)  }
0xc4: {  	v11 =	vshra.s32 v10, $0x4;
	v12 =	vand.u32 $0xF, v10  }
0xc5: {  	v13 =	vperm.xlane v11, v4;
	v14 =	vperm.xlane v11, v5;
	_ =	sdelay $0x1  }
0xc6: {  	vm1 =	vne.s32 v11, v13;
	vm2 =	veq.s32 v11, v14  }
0xc7: {  	vm1 =	vmor vm1, vm0;
	v13 =	vsel vm2, v6, v7  }
0xc8: {  	(xrf0) =	vmax.scan.msk.u32 $0xffff, v13;
	_ =	sdelay $0x1  }
0xc9: {  	(v2sf) =	vpush v9, $0xF  }
0xca: {  	vm2 =	vne.s32 v10, $0x7FFFFFFF  }
0xcb: {  	vm1 =	vmand vm2, vm1  }
0xcc: {  	v9 =	vand.u32 $0x7FFF, v11  }
0xcd: {  	v10, _, _ =	vpop (xrf0)  }
0xce: {  	v10 =	vxor.u32 $0x80000000, v10  }
0xcf: {  	v10 =	vsub.s32 v8, v10  }
0xd0: {  	v11 =	vor.u32 s15, v12;
	v10 =	vcvt.s32.f32 v10  }
0xd1: {  	[tilespmem:v9+s21+$0x0] =	vst.idx.msk vm1, v11  }
0xd2: {  	[tilespmem:v9+s22+$0x0] =	vst.idx.add.f32.msk vm1, v10  }
0xd3: {  	v9 =	vld [tilespmem:s2+$0x10];
	_ =	sdelay $0x4  }
0xd4: {  	s0 =	sadd.s32 $0x30, s0;
	v10 =	vshra.s32 v9, $0xF;
	v9 =	vshll.u32 v9, $0x4;
	s14 =	spop (v2sf)  }
0xd5: {  	s5 =	sadd.s32 s5, s14;
	vm1 =	veq.s32 v10, v0;
	v10 =	vor.u32 s0, v3;
	v9 =	vor.u32 v3, v9  }
0xd6: {  	v11 =	vsel vm1, $0x1, v2;
	[tilespmem:s5+$0x14080] =	vst.msk vm1, v10;
	v9 =	vnsel vm1, $0x7FFFFFFF, v9  }
0xd7: {  	(xrf1) =	vsort.ascd.msk.u32 $0xffff, v9, v9  }
0xd8: {  	(xrf0) =	vadd.scan.msk.s32 $0xffff, v11;
	_ =	sdelay $0x5  }
0xd9: {  	v9, _, _ =	vpop (xrf0)  }
0xda: {  	(v2sf) =	vpush v9, $0xF;
	_ =	sdelay $0x5  }
0xdb: {  	v9, _, _ =	vpop (xrf1)  }
0xdc: {  	v10 =	vshra.s32 v9, $0x4;
	v11 =	vand.u32 $0xF, v9  }
0xdd: {  	v12 =	vperm.xlane v10, v4;
	v13 =	vperm.xlane v10, v5;
	_ =	sdelay $0x1  }
0xde: {  	vm1 =	vne.s32 v10, v12;
	vm2 =	veq.s32 v10, v13  }
0xdf: {  	vm1 =	vmor vm1, vm0;
	v12 =	vsel vm2, v6, v7  }
0xe0: {  	(xrf0) =	vmax.scan.msk.u32 $0xffff, v12;
	_ =	sdelay $0x2  }
0xe1: {  	vm2 =	vne.s32 v9, $0x7FFFFFFF;
	s14 =	spop (v2sf)  }
0xe2: {  	vm1 =	vmand vm2, vm1;
	s5 =	sadd.s32 s5, s14  }
0xe3: {  	v9 =	vand.u32 $0x7FFF, v10  }
.Ltmp3:
0xe4: {  	v10, _, _ =	vpop (xrf0);
	(pc) =	sbr.rel @p1 .LBB2_4-.Ltmp3, $4  }
0xe5: {  	v10 =	vxor.u32 $0x80000000, v10  }
0xe6: {  	v10 =	vsub.s32 v8, v10  }
0xe7: {  	v11 =	vor.u32 s0, v11;
	v10 =	vcvt.s32.f32 v10  }
0xe8: {  	[tilespmem:v9+s21+$0x0] =	vst.idx.msk vm1, v11  }
0xe9: {  	_ =	sdelay $0x3  }
0xea: {  	p1 =	slt.s32 s5, $0x1  }
0xeb: {  	[tilespmem:v9+s22+$0x0] =	vst.idx.add.f32.msk vm1, v10;
	s0 =	simm.s32 @!p1 $0x14080  }
0xec: {  	v9 =	vld.msk @!p1 [tilespmem:s0+$0x0], $0xffff;
	_ =	sdelay $0x4  }
0xed: {  	s18 =	sadd.s32 $0x7F, s5;
	s2 =	sand.u32 @!p1 $0x7FFFFFFF, s5;
	[tilespmem:s5+$0x14080] =	vst @!p1 v9  }
0xee: {  	s0 =	sshra.s32 s18, $0x7;
	[tilespmem:s2+$0x14090] =	vst @!p1 v9  }
0xef: {  	p2 =	slt.s32 s0, $0x1;
	[tilespmem:s2+$0x140A0] =	vst @!p1 v9  }
.Ltmp4:
0xf0: {  	[tilespmem:s2+$0x140B0] =	vst @!p1 v9;
	(pc) =	sbr.rel @p2 .LBB2_7-.Ltmp4, $4  }
0xf1: {  	[tilespmem:s2+$0x140C0] =	vst @!p1 v9  }
0xf2: {  	[tilespmem:s2+$0x140D0] =	vst @!p1 v9  }
0xf3: {  	[tilespmem:s2+$0x140E0] =	vst @!p1 v9  }
0xf4: {  	[tilespmem:s2+$0x140F0] =	vst @!p1 v9;
	s2 =	simm.s32 $0x140C0  }
.LBB2_6:
0xf5: {  	v9 =	vld [tilespmem:s2+$0xFFFFFFC0];
	_ =	sdelay $0x7  }
0xf6: {  	v10 =	vld.idx.msk [tilespmem:v9+s9+$0x0], $0xffff;
	_ =	sdelay $0x4  }
0xf7: {  	v10 =	vand.u32 $0x7FFF, v10;
	_ =	sdelay $0x4  }
0xf8: {  	v10 =	vld.idx.msk [tilespmem:v10+s21+$0x0], $0xffff;
	_ =	sdelay $0x4  }
0xf9: {  	[tilespmem:$0x18100] =	vst v9;
	v10 =	vand.u32 $0x3FFF, v10  }
0xfa: {  	[tilespmem:$0x18180] =	vst v10  }
0xfb: {  	v9 =	vld [tilespmem:s2+$0xFFFFFFD0];
	_ =	sdelay $0x7  }
0xfc: {  	v10 =	vld.idx.msk [tilespmem:v9+s9+$0x0], $0xffff;
	_ =	sdelay $0x4  }
0xfd: {  	v10 =	vand.u32 $0x7FFF, v10;
	_ =	sdelay $0x4  }
0xfe: {  	v10 =	vld.idx.msk [tilespmem:v10+s21+$0x0], $0xffff;
	_ =	sdelay $0x4  }
0xff: {  	[tilespmem:$0x18110] =	vst v9;
	v10 =	vand.u32 $0x3FFF, v10  }
0x100: {  	[tilespmem:$0x18190] =	vst v10  }
0x101: {  	v9 =	vld [tilespmem:s2+$0xFFFFFFE0];
	_ =	sdelay $0x7  }
0x102: {  	v10 =	vld.idx.msk [tilespmem:v9+s9+$0x0], $0xffff;
	_ =	sdelay $0x4  }
0x103: {  	v10 =	vand.u32 $0x7FFF, v10;
	_ =	sdelay $0x4  }
0x104: {  	v10 =	vld.idx.msk [tilespmem:v10+s21+$0x0], $0xffff;
	_ =	sdelay $0x4  }
0x105: {  	[tilespmem:$0x18120] =	vst v9;
	v10 =	vand.u32 $0x3FFF, v10  }
0x106: {  	[tilespmem:$0x181A0] =	vst v10  }
0x107: {  	v9 =	vld [tilespmem:s2+$0xFFFFFFF0];
	_ =	sdelay $0x7  }
0x108: {  	v10 =	vld.idx.msk [tilespmem:v9+s9+$0x0], $0xffff;
	_ =	sdelay $0x4  }
0x109: {  	v10 =	vand.u32 $0x7FFF, v10;
	_ =	sdelay $0x4  }
0x10a: {  	v10 =	vld.idx.msk [tilespmem:v10+s21+$0x0], $0xffff;
	_ =	sdelay $0x4  }
0x10b: {  	[tilespmem:$0x18130] =	vst v9;
	v10 =	vand.u32 $0x3FFF, v10  }
0x10c: {  	[tilespmem:$0x181B0] =	vst v10  }
0x10d: {  	v9 =	vld [tilespmem:s2+$0x0];
	_ =	sdelay $0x7  }
0x10e: {  	v10 =	vld.idx.msk [tilespmem:v9+s9+$0x0], $0xffff;
	_ =	sdelay $0x4  }
0x10f: {  	v10 =	vand.u32 $0x7FFF, v10;
	_ =	sdelay $0x4  }
0x110: {  	v10 =	vld.idx.msk [tilespmem:v10+s21+$0x0], $0xffff;
	_ =	sdelay $0x4  }
0x111: {  	[tilespmem:$0x18140] =	vst v9;
	v10 =	vand.u32 $0x3FFF, v10  }
0x112: {  	[tilespmem:$0x181C0] =	vst v10  }
0x113: {  	v9 =	vld [tilespmem:s2+$0x10];
	_ =	sdelay $0x7  }
0x114: {  	v10 =	vld.idx.msk [tilespmem:v9+s9+$0x0], $0xffff;
	_ =	sdelay $0x4  }
0x115: {  	v10 =	vand.u32 $0x7FFF, v10;
	_ =	sdelay $0x4  }
0x116: {  	v10 =	vld.idx.msk [tilespmem:v10+s21+$0x0], $0xffff;
	_ =	sdelay $0x4  }
0x117: {  	[tilespmem:$0x18150] =	vst v9;
	v10 =	vand.u32 $0x3FFF, v10  }
0x118: {  	[tilespmem:$0x181D0] =	vst v10  }
0x119: {  	v9 =	vld [tilespmem:s2+$0x20];
	_ =	sdelay $0x7  }
0x11a: {  	v10 =	vld.idx.msk [tilespmem:v9+s9+$0x0], $0xffff;
	_ =	sdelay $0x4  }
0x11b: {  	v10 =	vand.u32 $0x7FFF, v10;
	_ =	sdelay $0x4  }
0x11c: {  	v10 =	vld.idx.msk [tilespmem:v10+s21+$0x0], $0xffff;
	_ =	sdelay $0x4  }
0x11d: {  	[tilespmem:$0x18160] =	vst v9;
	v10 =	vand.u32 $0x3FFF, v10  }
0x11e: {  	[tilespmem:$0x181E0] =	vst v10  }
0x11f: {  	v9 =	vld [tilespmem:s2+$0x30];
	_ =	sdelay $0x7  }
0x120: {  	v10 =	vld.idx.msk [tilespmem:v9+s9+$0x0], $0xffff;
	_ =	sdelay $0x4  }
0x121: {  	v10 =	vand.u32 $0x7FFF, v10;
	_ =	sdelay $0x4  }
0x122: {  	v10 =	vld.idx.msk [tilespmem:v10+s21+$0x0], $0xffff;
	_ =	sdelay $0x4  }
0x123: {  	[tilespmem:$0x18170] =	vst v9;
	v10 =	vand.u32 $0x3FFF, v10  }
0x124: {  	[tilespmem:$0x181F0] =	vst v10  }
0x125: {  	[tilespmem:s25], [sflag:$0x1] =	stream.indirect.gather [hbm4b:s1+s23], $0x40, s24, s23, $0xb8;
	[tilespmem:$0x1E210] =	vst v63  }
0x126: {  	_ =	swait.ge [sflag:s20], $0x2000  }
0x127: {  	p1 =	sne.s32 s0, $0x1;
	[sflag:s20] =	ssyncset.done $0x0  }
.Ltmp5:
0x128: {  	[sflag:s20] =	ssyncadd.s32 $0xFFFFE000;
	(pc) =	sbr.rel @p1 .LBB2_6-.Ltmp5, $4  }
0x129: {  	[hbm4b:s11+s23] =	stream.indirect.scatter [tilespmem:s25], [sflag:$0x1], $0x40, s26, s23, $0xb8;
	[tilespmem:$0x1E210] =	vst v63  }
0x12a: {  	_ =	swait.ge [sflag:s20], $0x2000  }
0x12b: {  	[sflag:s20] =	ssyncset.done $0x0  }
0x12c: {  	s0 =	sadd.s32 $0xFFFFFFFF, s0;
	s2 =	sadd.s32 $0x80, s2;
	[sflag:s20] =	ssyncadd.s32 $0xFFFFE000  }
.LBB2_7:
.Ltmp6:
0x12d: {  	(pc) =	sbr.rel @p0 .LBB2_12-.Ltmp6, $1  }
0x12e: {  	_ =	sdelay $0x3  }
0x12f: {  	s0 =	simm.s32 $0x0;
	v9 =	vld [tilespmem:$0x1E200];
	s2 =	rddreg [dreg:$0x9];
	s5 =	simm.s32 $0x0  }
.LBB2_9:
0x130: {  	s6 =	sshll.u32 s5, $0xD  }
0x131: {  	p1 =	slt.s32 s2, s17;
	s6 =	sadd.s32 s10, s6  }
0x132: {  	s14 =	smov.u32 s17;
	s15 =	smov.u32 s13;
	p2 =	slt.s32 s6, s13  }
0x133: {  	s14 =	smov.u32 @p1 s2;
	s15 =	smov.u32 @p2 s6  }
0x134: {  	s14 =	sadd.s32 s14, s16;
	s6 =	sshrl.u32 s15, $0x3  }
0x135: {  	s14 =	sshll.u32 s14, $0x2;
	s15 =	sadd.s32 s3, s6  }
0x136: {  	[tilespmem:s28], [sflag:$0x1] =	stream.linear.gather [hbm4b:s15+s0], $0x2000, $0x38;
	[tilespmem:$0x1E210] =	vst v63  }
0x137: {  	s14 =	sshra.s32 s14, $0x2;
	s18 =	sadd.s32 s4, s6  }
0x138: {  	[tilespmem:s29], [sflag:$0x2] =	stream.linear.gather [hbm4b:s18+s0], $0x2000, $0x38;
	[tilespmem:$0x1E210] =	vst v63  }
0x139: {  	s14 =	sadd.s32 $0xC0B0, s14;
	_ =	swait.ge [sflag:s20], $0x2000  }
0x13a: {  	v10 =	vmov s14;
	[sflag:s20] =	ssyncset.done $0x0  }
0x13b: {  	[sflag:s20] =	ssyncadd.s32 $0xFFFFE000  }
0x13c: {  	_ =	swait.ge [sflag:s30], $0x2000  }
0x13d: {  	[sflag:s30] =	ssyncset.done $0x0  }
0x13e: {  	s18 =	simm.s32 $0x0;
	[sflag:s30] =	ssyncadd.s32 $0xFFFFE000  }
0x13f: {  	v11 =	vld.idx.msk [tilespmem:v10+s18+$0xFFFFFFD0 ss:$0x1], $0xffff  }
0x140: {  	s14 =	simm.s32 $0x100;
	v12 =	vld [tilespmem:s18+$0x1A200]  }
.LBB2_10:
0x141: {  	p1 =	sne.s32 s14, $0x7F00;
	v13 =	vld [tilespmem:s18+$0x1C200];
	_ =	sdelay $0x3  }
0x142: {  	vm1 =	vgt.f32 v11, $0.0e+00  }
0x143: {  	v12 =	vsel vm1, v9, v12;
	v11 =	vadd.f32 v13, v11  }
0x144: {  	[tilespmem:s18+$0x1A200] =	vst v12  }
0x145: {  	[tilespmem:s18+$0x1C200] =	vst v11  }
0x146: {  	v11 =	vld.idx.msk [tilespmem:v10+s18+$0xFFFFFFE0 ss:$0x1], $0xffff  }
0x147: {  	v12 =	vld [tilespmem:s18+$0x1A210]  }
0x148: {  	v13 =	vld [tilespmem:s18+$0x1C210];
	_ =	sdelay $0x3  }
0x149: {  	vm1 =	vgt.f32 v11, $0.0e+00  }
0x14a: {  	v12 =	vsel vm1, v9, v12;
	v11 =	vadd.f32 v13, v11  }
0x14b: {  	[tilespmem:s18+$0x1A210] =	vst v12  }
0x14c: {  	[tilespmem:s18+$0x1C210] =	vst v11  }
0x14d: {  	v11 =	vld.idx.msk [tilespmem:v10+s18+$0xFFFFFFF0 ss:$0x1], $0xffff  }
0x14e: {  	v12 =	vld [tilespmem:s18+$0x1C220]  }
0x14f: {  	v13 =	vld [tilespmem:s18+$0x1A220];
	_ =	sdelay $0x3  }
0x150: {  	vm1 =	vgt.f32 v11, $0.0e+00;
	v11 =	vadd.f32 v12, v11  }
0x151: {  	v12 =	vsel vm1, v9, v13  }
0x152: {  	[tilespmem:s18+$0x1A220] =	vst v12  }
0x153: {  	[tilespmem:s18+$0x1C220] =	vst v11  }
0x154: {  	v11 =	vld.idx.msk [tilespmem:v10+s18+$0x0 ss:$0x1], $0xffff  }
0x155: {  	v12 =	vld [tilespmem:s18+$0x1C230]  }
0x156: {  	v13 =	vld [tilespmem:s18+$0x1A230];
	_ =	sdelay $0x3  }
0x157: {  	vm1 =	vgt.f32 v11, $0.0e+00;
	v11 =	vadd.f32 v12, v11  }
.Ltmp7:
0x158: {  	v12 =	vsel vm1, v9, v13;
	(pc) =	sbr.rel @p1 .LBB2_10-.Ltmp7, $4  }
0x159: {  	[tilespmem:s18+$0x1A230] =	vst v12  }
0x15a: {  	[tilespmem:s18+$0x1C230] =	vst v11;
	s18 =	sshra.s32 s14, $0x2  }
0x15b: {  	v11 =	vld.idx.msk [tilespmem:v10+s18+$0xFFFFFFD0 ss:$0x1], $0xffff  }
0x15c: {  	s14 =	sadd.s32 $0x100, s14;
	v12 =	vld [tilespmem:s18+$0x1A200]  }
0x15d: {  	v13 =	vld [tilespmem:s18+$0x1C200];
	_ =	sdelay $0x3  }
0x15e: {  	vm1 =	vgt.f32 v11, $0.0e+00  }
0x15f: {  	v12 =	vsel vm1, v9, v12;
	v11 =	vadd.f32 v13, v11  }
0x160: {  	[tilespmem:s18+$0x1A200] =	vst v12  }
0x161: {  	v58 =	vld [tilespmem:s18+$0x1A210];
	[tilespmem:s18+$0x1C200] =	vst v11  }
0x162: {  	v11 =	vld.idx.msk [tilespmem:v10+s18+$0xFFFFFFE0 ss:$0x1], $0xffff  }
0x163: {  	v59 =	vld [tilespmem:s18+$0x1C210];
	_ =	sdelay $0x3  }
0x164: {  	vm1 =	vgt.f32 v11, $0.0e+00  }
0x165: {  	v11 =	vadd.f32 v59, v11;
	v12 =	vsel vm1, v9, v58  }
0x166: {  	[tilespmem:s18+$0x1A210] =	vst v12  }
0x167: {  	v60 =	vld [tilespmem:s18+$0x1C220];
	[tilespmem:s18+$0x1C210] =	vst v11  }
0x168: {  	v11 =	vld.idx.msk [tilespmem:v10+s18+$0xFFFFFFF0 ss:$0x1], $0xffff  }
0x169: {  	v61 =	vld [tilespmem:s18+$0x1A220];
	_ =	sdelay $0x3  }
0x16a: {  	vm1 =	vgt.f32 v11, $0.0e+00  }
0x16b: {  	v11 =	vadd.f32 v60, v11;
	v62 =	vsel vm1, v9, v61  }
0x16c: {  	[tilespmem:s18+$0x1A220] =	vst v62  }
0x16d: {  	v63 =	vld [tilespmem:s18+$0x1A230];
	[tilespmem:s18+$0x1C220] =	vst v11  }
0x16e: {  	v10 =	vld.idx.msk [tilespmem:v10+s18+$0x0 ss:$0x1], $0xffff  }
0x16f: {  	v11 =	vld [tilespmem:s18+$0x1C230];
	_ =	sdelay $0x3  }
0x170: {  	vm1 =	vgt.f32 v10, $0.0e+00  }
0x171: {  	v10 =	vadd.f32 v11, v10;
	v11 =	vsel vm1, v9, v63  }
0x172: {  	[tilespmem:s18+$0x1A230] =	vst v11  }
0x173: {  	s14 =	sadd.s32 s7, s6;
	[tilespmem:s18+$0x1C230] =	vst v10  }
0x174: {  	[hbm4b:s14+s9] =	stream.linear.scatter [tilespmem:s28], [sflag:$0x1], $0x2000, $0x38;
	[tilespmem:$0x1E210] =	vst v63  }
0x175: {  	s5 =	sadd.s32 $0x1, s5;
	s18 =	sadd.s32 s8, s6  }
0x176: {  	[hbm4b:s18+s9] =	stream.linear.scatter [tilespmem:s29], [sflag:$0x2], $0x2000, $0x38;
	[tilespmem:$0x1E210] =	vst v63  }
0x177: {  	p1 =	sne.s32 s5, s12;
	_ =	swait.ge [sflag:s20], $0x2000  }
.Ltmp8:
0x178: {  	[sflag:s20] =	ssyncset.done $0x0;
	(pc) =	sbr.rel @p1 .LBB2_9-.Ltmp8, $4  }
.Ltmp9:
0x179: {  	[sflag:s20] =	ssyncadd.s32 $0xFFFFE000;
	(pc) =	sbr.rel @!p1 .LBB2_12-.Ltmp9, $4  }
0x17a: {  	_ =	swait.ge [sflag:s30], $0x2000  }
0x17b: {  	[sflag:s30] =	ssyncset.done $0x0  }
0x17c: {  	s2 =	sadd.s32 $0x2000, s2;
	[sflag:s30] =	ssyncadd.s32 $0xFFFFE000  }
0x17d: {  	_ = 	snop  }
.LBB2_13:
0x17e: {  	_ =	sfence.sel $0x180000  }
0x17f: {  	[bflag:$0x0] =	sbarrier.arrive $0xFFFF  }
0x180: {  	_ =	strace $0x90000047  }
0x181: {  	s0 =	stileid.u32;
	[bflag:$0x2] =	sbarrier.arrive $0xFFFF  }
0x182: {  	p0 =	sne.s32 s0, $0x0;
	s0 =	rddreg [dreg:$0x8]  }
0x183: {  	s0 =	sadd.s32 @!p0 $0x100000, s0  }
0x184: {  	[sflag:s0] =	ssyncadd.tile.s32 @!p0 $0x1;
	_ =	shalt  }
.Lfunc_end2:
_tile_overlayer_lowered:
.L_overlay_start_2:
0x185: {  	(tag) =	ssettag $0x2  }
0x186: {  	s0 =	rddreg [dreg:$0x0];
	s2 =	stileid.u32  }
0x187: {  	s1 =	rddreg [dreg:$0x1];
	p0 =	sne.s32 s2, $0x0  }
0x188: {  	s3 =	rddreg [dreg:$0x2];
	[bflag:$0x3] =	sbarrier.arrive $0xFFFF;
	s2 =	simm.s32 @!p0 $0x1C03  }
0x189: {  	[timem:s3], [sflag:s2] =	dma.local @!p0 [hbm:s0], s1  }
0x18a: {  	s0 =	simm.s32 @!p0 $0x3  }
0x18b: {  	_ =	swait.ge @!p0 [sflag:s0], s1  }
0x18c: {  	s1 =	ssub.s32 @!p0 $0x0, s1;
	[sflag:s0] =	ssyncset.done @!p0 $0x0  }
0x18d: {  	[sflag:s0] =	ssyncadd.s32 @!p0 s1  }
0x18e: {  	[bflag:$0x3] =	sbarrier.arrive $0xFFFF  }
0x18f: {  	_ =	shalt  }

</sc_bundles>
